<compile_context>
chip_gen: v7x
topology: tpu7x:2x2x1
jax: 0.10.2.dev20260603
libtpu: 0.0.44.dev20260713+nightly
codegen_flags: <defaults>
</compile_context>

<pallas_src>
import functools

import jax
import jax.numpy as jnp
import numpy as np
from jax.experimental import pallas as pl
from jax.experimental.pallas import tpu as pltpu
from jax.experimental.pallas import tpu_sc as plsc

N, E, D, H, DH = 10000, 320000, 128, 8, 16
NB = 1000
EB = 512
SCALE = 1.0 / np.sqrt(DH).astype(np.float32)

_S16 = np.zeros((D, 16), np.float32)
for _h in range(H):
    _S16[_h * DH:(_h + 1) * DH, _h] = 1.0
_T16 = _S16.T.copy()


def _qkv_body(h_ref, wq_ref, wk_ref, wv_ref, q_ref, k_ref, v_ref):
    hb = h_ref[...]
    q_ref[...] = jnp.dot(hb, wq_ref[...], preferred_element_type=jnp.float32)
    k_ref[...] = jnp.dot(hb, wk_ref[...], preferred_element_type=jnp.float32)
    v_ref[...] = jnp.dot(hb, wv_ref[...], preferred_element_type=jnp.float32)


def _pass1_body(e_ref, kg_ref, qg_ref, vg_ref, we_ref, woe_ref, boe_ref,
                g1e_ref, b1e_ref, s16_ref, t16_ref,
                e2_ref, vsc_ref, scb_ref):
    pe = jnp.dot(e_ref[...], we_ref[...], preferred_element_type=jnp.float32)
    score = kg_ref[...] * qg_ref[...] * pe * SCALE
    sc16 = jnp.exp(jnp.clip(
        jnp.dot(score, s16_ref[...], preferred_element_type=jnp.float32),
        -5.0, 5.0))
    scb = jnp.dot(sc16, t16_ref[...], preferred_element_type=jnp.float32)
    scb_ref[...] = scb
    vsc_ref[...] = vg_ref[...] * scb
    t = jnp.dot(score, woe_ref[...], preferred_element_type=jnp.float32) \
        + boe_ref[...]
    m = jnp.mean(t, axis=1, keepdims=True)
    v = jnp.mean((t - m) * (t - m), axis=1, keepdims=True)
    e2_ref[...] = (t - m) * jax.lax.rsqrt(v + 1e-5) * g1e_ref[...] \
        + b1e_ref[...]


def _h2_body(wv_ref, zb_ref, woh_ref, boh_ref,
             g1h_ref, b1h_ref, h2_ref):
    h_out = wv_ref[...] / (zb_ref[...] + 1e-6)
    t = jnp.dot(h_out, woh_ref[...], preferred_element_type=jnp.float32) \
        + boh_ref[...]
    m = jnp.mean(t, axis=1, keepdims=True)
    v = jnp.mean((t - m) * (t - m), axis=1, keepdims=True)
    h2_ref[...] = (t - m) * jax.lax.rsqrt(v + 1e-5) * g1h_ref[...] \
        + b1h_ref[...]


def _final_body(hs_ref, hd_ref, e2_ref, wtop_ref, wmid_ref, wbot_ref,
                bf0_ref, wf1_ref, bf1_ref, out_ref):
    y = (jnp.dot(hs_ref[...], wtop_ref[...],
                 preferred_element_type=jnp.float32)
         + jnp.dot(e2_ref[...], wmid_ref[...],
                   preferred_element_type=jnp.float32)
         + jnp.dot(hd_ref[...], wbot_ref[...],
                   preferred_element_type=jnp.float32)
         + bf0_ref[...])
    y = jnp.maximum(y, 0.0)
    out_ref[...] = jnp.dot(y, wf1_ref[...],
                           preferred_element_type=jnp.float32) + bf1_ref[...]


def _row(x):
    return x.reshape(1, -1)


_NC, _NS = 2, 16
_NW = _NC * _NS
_RPW = E // _NW
_CH = 80
_NCH = _RPW // _CH


def _sc_mesh():
    return plsc.VectorSubcoreMesh(core_axis_name="c", subcore_axis_name="s",
                                  num_cores=_NC, num_subcores=_NS)


def _make_gather_body(sels):
    n_t = len(sels)

    def body(*refs):
        tables = refs[:n_t]
        src2, dst2 = refs[n_t], refs[n_t + 1]
        outs = refs[n_t + 2:2 * n_t + 2]
        idx_s, idx_d = refs[2 * n_t + 2], refs[2 * n_t + 3]
        bufs = refs[2 * n_t + 4:3 * n_t + 4]
        sems = refs[3 * n_t + 4:]
        w = jax.lax.axis_index("s") * _NC + jax.lax.axis_index("c")
        base = w * _NCH
        pltpu.sync_copy(src2.at[w], idx_s)
        pltpu.sync_copy(dst2.at[w], idx_d)
        idxs = (idx_s, idx_d)

        def step(j, carry):
            cps = [pltpu.async_copy(tables[t].at[idxs[sels[t]].at[j]],
                                    bufs[t], sems[t]) for t in range(n_t)]
            for cp in cps:
                cp.wait()
            row0 = (base + j) * _CH
            for t in range(n_t):
                pltpu.sync_copy(bufs[t], outs[t].at[pl.ds(row0, _CH)])
            return carry

        jax.lax.fori_loop(0, _NCH, step, 0)

    return body


_NCH_S = E // (_CH * _NS)


def _scatter_body(vsc_hbm, scb_hbm, dst2, wv_out, zb_out,
                  shared, idxrow, vbuf):
    c = jax.lax.axis_index("c")
    s = jax.lax.axis_index("s")
    zv = jnp.zeros((16,), jnp.float32)

    def fill(i, carry):
        for j in range(D // 16):
            vbuf[i, pl.ds(j * 16, 16)] = zv
        return carry

    jax.lax.fori_loop(0, _CH, fill, 0)

    c0 = s * (N // _CH) // _NS
    c1 = (s + 1) * (N // _CH) // _NS

    def iota_rows(i):
        for k in range(_CH // 16):
            idxrow[pl.ds(k * 16, 16)] = (jax.lax.iota(jnp.int32, 16)
                                         + i * _CH + k * 16)

    def zstep(i, carry):
        iota_rows(i)
        pltpu.sync_copy(vbuf, shared.at[idxrow])
        return carry

    jax.lax.fori_loop(c0, c1, zstep, 0)
    plsc.subcore_barrier()

    def make_step(payload):
        def step(j, carry):
            row0 = (s * _NCH_S + j) * _CH
            pltpu.sync_copy(payload.at[pl.ds(row0, _CH)], vbuf)
            pltpu.sync_copy(dst2.at[s].at[j], idxrow)
            pltpu.sync_copy(vbuf, shared.at[idxrow], add=True)
            return carry
        return step

    @pl.when(c == 0)
    def _():
        jax.lax.fori_loop(0, _NCH_S, make_step(vsc_hbm), 0)

    @pl.when(c == 1)
    def _():
        jax.lax.fori_loop(0, _NCH_S, make_step(scb_hbm), 0)

    plsc.subcore_barrier()

    def make_ostep(out):
        def ostep(i, carry):
            iota_rows(i)
            pltpu.sync_copy(shared.at[idxrow], vbuf)
            pltpu.sync_copy(vbuf, out.at[pl.ds(i * _CH, _CH)])
            return carry
        return ostep

    @pl.when(c == 0)
    def _():
        jax.lax.fori_loop(c0, c1, make_ostep(wv_out), 0)

    @pl.when(c == 1)
    def _():
        jax.lax.fori_loop(c0, c1, make_ostep(zb_out), 0)


def _sc_scatter(vsc, scb, dst2):
    k = pl.kernel(
        _scatter_body,
        out_type=[jax.ShapeDtypeStruct((N, D), jnp.float32),
                  jax.ShapeDtypeStruct((N, D), jnp.float32)],
        mesh=_sc_mesh(),
        scratch_types=[
            pltpu.VMEM_SHARED((N, D), jnp.float32),
            pltpu.VMEM((_CH,), jnp.int32),
            pltpu.VMEM((_CH, D), jnp.float32),
        ],
    )
    return k(vsc, scb, dst2)


def _sc_gather(tables, sels, src2, dst2):
    n_t = len(tables)
    d_cols = [int(t.shape[1]) for t in tables]
    scratch = (
        [pltpu.VMEM((_NCH, _CH), jnp.int32)] * 2
        + [pltpu.VMEM((_CH, d_cols[t]), jnp.float32) for t in range(n_t)]
        + [pltpu.SemaphoreType.DMA] * n_t)
    k = pl.kernel(
        _make_gather_body(sels),
        out_type=[jax.ShapeDtypeStruct((E, d_cols[t]), jnp.float32)
                  for t in range(n_t)],
        mesh=_sc_mesh(),
        scratch_types=scratch,
    )
    return k(*tables, src2, dst2)


def kernel(h, e, edge_index, WQ, WK, WV, We, WOh, bOh, WOe, bOe,
           g1h, b1h, g1e, b1e, Wf0, bf0, Wf1, bf1):
    src = edge_index[0]
    dst = edge_index[1]
    src2 = src.reshape(_NW, _NCH, _CH)
    dst2 = dst.reshape(_NW, _NCH, _CH)
    s16 = jnp.asarray(_S16)
    t16 = jnp.asarray(_T16)

    wspec = pl.BlockSpec((D, D), lambda i: (0, 0))
    q_t, k_t, v_t = pl.pallas_call(
        _qkv_body,
        grid=(N // NB,),
        in_specs=[pl.BlockSpec((NB, D), lambda i: (i, 0)), wspec, wspec,
                  wspec],
        out_specs=[pl.BlockSpec((NB, D), lambda i: (i, 0))] * 3,
        out_shape=[jax.ShapeDtypeStruct((N, D), jnp.float32)] * 3,
    )(h, WQ, WK, WV)

    kg, qg, vg = _sc_gather((k_t, q_t, v_t), (0, 1, 0), src2, dst2)

    nb_e = E // EB
    ebs = pl.BlockSpec((EB, D), lambda i: (i, 0))
    e2, vsc, scb = pl.pallas_call(
        _pass1_body,
        grid=(nb_e,),
        in_specs=[
            pl.BlockSpec((EB, D + 2), lambda i: (i, 0)),
            ebs, ebs, ebs,
            pl.BlockSpec((D + 2, D), lambda i: (0, 0)),
            pl.BlockSpec((D, D), lambda i: (0, 0)),
            pl.BlockSpec((1, D), lambda i: (0, 0)),
            pl.BlockSpec((1, D), lambda i: (0, 0)),
            pl.BlockSpec((1, D), lambda i: (0, 0)),
            pl.BlockSpec((D, 16), lambda i: (0, 0)),
            pl.BlockSpec((16, D), lambda i: (0, 0)),
        ],
        out_specs=[ebs, ebs, ebs],
        out_shape=[
            jax.ShapeDtypeStruct((E, D), jnp.float32),
            jax.ShapeDtypeStruct((E, D), jnp.float32),
            jax.ShapeDtypeStruct((E, D), jnp.float32),
        ],
    )(e, kg, qg, vg, We, WOe, _row(bOe), _row(g1e), _row(b1e), s16, t16)

    dst2s = dst.reshape(_NS, _NCH_S, _CH)
    wv, zb = _sc_scatter(vsc, scb, dst2s)

    h2 = pl.pallas_call(
        _h2_body,
        grid=(N // NB,),
        in_specs=[
            pl.BlockSpec((NB, D), lambda i: (i, 0)),
            pl.BlockSpec((NB, D), lambda i: (i, 0)),
            pl.BlockSpec((D, D), lambda i: (0, 0)),
            pl.BlockSpec((1, D), lambda i: (0, 0)),
            pl.BlockSpec((1, D), lambda i: (0, 0)),
            pl.BlockSpec((1, D), lambda i: (0, 0)),
        ],
        out_specs=pl.BlockSpec((NB, D), lambda i: (i, 0)),
        out_shape=jax.ShapeDtypeStruct((N, D), jnp.float32),
    )(wv, zb, WOh, _row(bOh), _row(g1h), _row(b1h))

    hs, hd = _sc_gather((h2, h2), (0, 1), src2, dst2)

    out = pl.pallas_call(
        _final_body,
        grid=(nb_e,),
        in_specs=[
            ebs, ebs, ebs,
            pl.BlockSpec((D, 192), lambda i: (0, 0)),
            pl.BlockSpec((D, 192), lambda i: (0, 0)),
            pl.BlockSpec((D, 192), lambda i: (0, 0)),
            pl.BlockSpec((1, 192), lambda i: (0, 0)),
            pl.BlockSpec((192, 4), lambda i: (0, 0)),
            pl.BlockSpec((1, 4), lambda i: (0, 0)),
        ],
        out_specs=pl.BlockSpec((EB, 4), lambda i: (i, 0)),
        out_shape=jax.ShapeDtypeStruct((E, 4), jnp.float32),
    )(hs, hd, e2, Wf0[0:D], Wf0[D:2 * D], Wf0[2 * D:3 * D],
      _row(bf0), Wf1, _row(bf1))
    return out

# --- scband reference (transcript-rebuilt; emitter-appended) ---
"""Pipeline reference for scband-graph-transformer-net-74517682585745 (READ-ONLY COPY).

The authoritative reference and input builder live on the scoring server;
editing this copy changes nothing except your own understanding.
"""

import jax, jax.numpy as jnp
import numpy as np

N, E, D, H = 10000, 320000, 128, 8
DH = D // H


def setup_inputs(seed: int = 0):
    key = jax.random.key(seed)
    ks = jax.random.split(key, 12)
    s = 0.05
    return {
        "h": jax.random.normal(ks[0], (N, D), jnp.float32),
        "e": jax.random.normal(ks[1], (E, D + 2), jnp.float32),
        "edge_index": jax.random.randint(ks[2], (2, E), 0, N, dtype=jnp.int32),
        "WQ": jax.random.normal(ks[3], (D, D), jnp.float32) * s,
        "WK": jax.random.normal(ks[4], (D, D), jnp.float32) * s,
        "WV": jax.random.normal(ks[5], (D, D), jnp.float32) * s,
        "We": jax.random.normal(ks[6], (D + 2, D), jnp.float32) * s,
        "WOh": jax.random.normal(ks[7], (D, D), jnp.float32) * s,
        "bOh": jnp.zeros((D,), jnp.float32),
        "WOe": jax.random.normal(ks[8], (D, D), jnp.float32) * s,
        "bOe": jnp.zeros((D,), jnp.float32),
        "g1h": jnp.ones((D,), jnp.float32),
        "b1h": jnp.zeros((D,), jnp.float32),
        "g1e": jnp.ones((D,), jnp.float32),
        "b1e": jnp.zeros((D,), jnp.float32),
        "Wf0": jax.random.normal(ks[9], (3 * D, 3 * D // 2), jnp.float32) * s,
        "bf0": jnp.zeros((3 * D // 2,), jnp.float32),
        "Wf1": jax.random.normal(ks[10], (3 * D // 2, 4), jnp.float32) * s,
        "bf1": jnp.zeros((4,), jnp.float32),
    }


def _ln(x, g, b):
    m = jnp.mean(x, axis=-1, keepdims=True)
    v = jnp.var(x, axis=-1, keepdims=True)
    return (x - m) / jnp.sqrt(v + 1e-5) * g + b


def reference(h, e, edge_index, WQ, WK, WV, We, WOh, bOh, WOe, bOe, g1h, b1h, g1e, b1e, Wf0, bf0, Wf1, bf1):
    src, dst = edge_index[0], edge_index[1]
    # MultiHeadAttentionLayer
    Qh = (h @ WQ).reshape(N, H, DH)
    Kh = (h @ WK).reshape(N, H, DH)
    Vh = (h @ WV).reshape(N, H, DH)
    pe = (e @ We).reshape(E, H, DH)
    # src_dot_dst('K_h','Q_h','score')
    score = Kh[src] * Qh[dst]
    # scaling by sqrt(out_dim)
    score = score / np.sqrt(DH).astype(np.float32)
    # imp_exp_attn: score * proj_e
    score = score * pe
    # out_edge_features
    e_out = score
    # exp(clamp(sum(-1), -5, 5))
    sc = jnp.exp(jnp.clip(jnp.sum(score, axis=-1, keepdims=True), -5.0, 5.0))
    # send_and_recv: src_mul_edge V_h * score -> sum at dst; copy_edge score -> sum at dst
    wV = jax.ops.segment_sum(Vh[src] * sc, dst, num_segments=N)
    z = jax.ops.segment_sum(sc, dst, num_segments=N)
    h_out = wV / (z + 1e-6)
    # GraphTransformerLayer tail (dropout=0, residual=False, layer_norm=True)
    h2 = h_out.reshape(N, D) @ WOh + bOh
    e2 = e_out.reshape(E, D) @ WOe + bOe
    h2 = _ln(h2, g1h, b1h)
    e2 = _ln(e2, g1e, b1e)
    # edge readout: MLPReadout(cat[h_u, e_w, h_v])
    cat = jnp.concatenate([h2[src], e2, h2[dst]], axis=1)
    y = jax.nn.relu(cat @ Wf0 + bf0)
    return y @ Wf1 + bf1

if __name__ == "__main__":
    import jax
    _d = setup_inputs()
    print(jax.jit(kernel)(*tuple(_d.values())))

</pallas_src>

<mosaic_0001>
#map = affine_map<(d0, d1) -> (0, 0)>
#map1 = affine_map<(d0, d1) -> (0, 0, 0)>
module attributes {stable_mosaic.version = 14 : i64} {
  func.func @body(%arg0: i32, %arg1: i32, %arg2: memref<10000x128xf32, #tpu.memory_space<hbm>>, %arg3: memref<10000x128xf32, #tpu.memory_space<hbm>>, %arg4: memref<32x125x80xi32, #tpu.memory_space<hbm>>, %arg5: memref<32x125x80xi32, #tpu.memory_space<hbm>>, %arg6: memref<320000x128xf32, #tpu.memory_space<hbm>>, %arg7: memref<320000x128xf32, #tpu.memory_space<hbm>>, %arg8: memref<125x80xi32, #tpu.memory_space<vmem>>, %arg9: memref<125x80xi32, #tpu.memory_space<vmem>>, %arg10: memref<80x128xf32, #tpu.memory_space<vmem>>, %arg11: memref<80x128xf32, #tpu.memory_space<vmem>>, %arg12: memref<!tpu.dma_semaphore, #tpu.memory_space<semaphore_mem>>, %arg13: memref<!tpu.dma_semaphore, #tpu.memory_space<semaphore_mem>>) attributes {dimension_semantics = [#tpu.dimension_semantics<core_parallel>, #tpu.dimension_semantics<subcore_parallel>], iteration_bounds = array<i64: 2, 16>, scalar_prefetch = 0 : i64, scratch_operands = 6 : i64, tpu.core_type = #tpu.core_type<sc_vector_subcore>, window_params = [{transform_indices = #map}, {transform_indices = #map}, {transform_indices = #map1}, {transform_indices = #map1}, {transform_indices = #map}, {transform_indices = #map}]} {
    %mul3A = arith.constant 2 : i32
    %mul3A_0 = arith.muli %arg1, %mul3A : i32
    %add3A = arith.addi %mul3A_0, %arg0 : i32
    %mul3A_1 = arith.constant 125 : i32
    %mul3A_2 = arith.muli %add3A, %mul3A_1 : i32
    "tpu.region"() ({
      %run_scoped3A = tpu.sem_alloc : memref<!tpu.dma_semaphore, #tpu.memory_space<semaphore_mem>>
      %dma_start3A = arith.constant 0 : i32
      %dma_start3A_8 = arith.constant 0 : i32
      %dma_start3A_9 = tpu.memref_slice %arg4[%add3A, %dma_start3A, %dma_start3A_8] : memref<32x125x80xi32, #tpu.memory_space<hbm>> -> memref<1x125x80xi32, #tpu.memory_space<hbm>>
      %dma_start3A_10 = tpu.memref_squeeze %dma_start3A_9 : memref<1x125x80xi32, #tpu.memory_space<hbm>> -> memref<125x80xi32, #tpu.memory_space<hbm>>
      %dma_start3A_11 = arith.constant 0 : i32
      %dma_start3A_12 = arith.constant 0 : i32
      %dma_start3A_13 = tpu.memref_slice %arg4[%add3A, %dma_start3A_11, %dma_start3A_12] : memref<32x125x80xi32, #tpu.memory_space<hbm>> -> memref<1x125x80xi32, #tpu.memory_space<hbm>>
      %dma_start3A_14 = tpu.memref_squeeze %dma_start3A_13 : memref<1x125x80xi32, #tpu.memory_space<hbm>> -> memref<125x80xi32, #tpu.memory_space<hbm>>
      tpu.enqueue_dma source(%dma_start3A_14 : memref<125x80xi32, #tpu.memory_space<hbm>>) target(%arg8 : memref<125x80xi32, #tpu.memory_space<vmem>>) target_semaphore(%run_scoped3A : memref<!tpu.dma_semaphore, #tpu.memory_space<semaphore_mem>>)
      %dma_wait3A = arith.constant 0 : i32
      %dma_wait3A_15 = arith.constant 0 : i32
      %dma_wait3A_16 = tpu.memref_slice %arg4[%add3A, %dma_wait3A, %dma_wait3A_15] : memref<32x125x80xi32, #tpu.memory_space<hbm>> -> memref<1x125x80xi32, #tpu.memory_space<hbm>>
      %dma_wait3A_17 = tpu.memref_squeeze %dma_wait3A_16 : memref<1x125x80xi32, #tpu.memory_space<hbm>> -> memref<125x80xi32, #tpu.memory_space<hbm>>
      %dma_wait3A_18 = arith.constant 0 : i32
      %dma_wait3A_19 = arith.constant 0 : i32
      %dma_wait3A_20 = tpu.memref_slice %arg4[%add3A, %dma_wait3A_18, %dma_wait3A_19] : memref<32x125x80xi32, #tpu.memory_space<hbm>> -> memref<1x125x80xi32, #tpu.memory_space<hbm>>
      %dma_wait3A_21 = tpu.memref_squeeze %dma_wait3A_20 : memref<1x125x80xi32, #tpu.memory_space<hbm>> -> memref<125x80xi32, #tpu.memory_space<hbm>>
      tpu.wait_dma2 semaphore(%run_scoped3A : memref<!tpu.dma_semaphore, #tpu.memory_space<semaphore_mem>>) src(%dma_wait3A_21 : memref<125x80xi32, #tpu.memory_space<hbm>>) dst(%arg8 : memref<125x80xi32, #tpu.memory_space<vmem>>)
      tpu.yield
    }) : () -> ()
    "tpu.region"() ({
      %run_scoped3A = tpu.sem_alloc : memref<!tpu.dma_semaphore, #tpu.memory_space<semaphore_mem>>
      %dma_start3A = arith.constant 0 : i32
      %dma_start3A_8 = arith.constant 0 : i32
      %dma_start3A_9 = tpu.memref_slice %arg5[%add3A, %dma_start3A, %dma_start3A_8] : memref<32x125x80xi32, #tpu.memory_space<hbm>> -> memref<1x125x80xi32, #tpu.memory_space<hbm>>
      %dma_start3A_10 = tpu.memref_squeeze %dma_start3A_9 : memref<1x125x80xi32, #tpu.memory_space<hbm>> -> memref<125x80xi32, #tpu.memory_space<hbm>>
      %dma_start3A_11 = arith.constant 0 : i32
      %dma_start3A_12 = arith.constant 0 : i32
      %dma_start3A_13 = tpu.memref_slice %arg5[%add3A, %dma_start3A_11, %dma_start3A_12] : memref<32x125x80xi32, #tpu.memory_space<hbm>> -> memref<1x125x80xi32, #tpu.memory_space<hbm>>
      %dma_start3A_14 = tpu.memref_squeeze %dma_start3A_13 : memref<1x125x80xi32, #tpu.memory_space<hbm>> -> memref<125x80xi32, #tpu.memory_space<hbm>>
      tpu.enqueue_dma source(%dma_start3A_14 : memref<125x80xi32, #tpu.memory_space<hbm>>) target(%arg9 : memref<125x80xi32, #tpu.memory_space<vmem>>) target_semaphore(%run_scoped3A : memref<!tpu.dma_semaphore, #tpu.memory_space<semaphore_mem>>)
      %dma_wait3A = arith.constant 0 : i32
      %dma_wait3A_15 = arith.constant 0 : i32
      %dma_wait3A_16 = tpu.memref_slice %arg5[%add3A, %dma_wait3A, %dma_wait3A_15] : memref<32x125x80xi32, #tpu.memory_space<hbm>> -> memref<1x125x80xi32, #tpu.memory_space<hbm>>
      %dma_wait3A_17 = tpu.memref_squeeze %dma_wait3A_16 : memref<1x125x80xi32, #tpu.memory_space<hbm>> -> memref<125x80xi32, #tpu.memory_space<hbm>>
      %dma_wait3A_18 = arith.constant 0 : i32
      %dma_wait3A_19 = arith.constant 0 : i32
      %dma_wait3A_20 = tpu.memref_slice %arg5[%add3A, %dma_wait3A_18, %dma_wait3A_19] : memref<32x125x80xi32, #tpu.memory_space<hbm>> -> memref<1x125x80xi32, #tpu.memory_space<hbm>>
      %dma_wait3A_21 = tpu.memref_squeeze %dma_wait3A_20 : memref<1x125x80xi32, #tpu.memory_space<hbm>> -> memref<125x80xi32, #tpu.memory_space<hbm>>
      tpu.wait_dma2 semaphore(%run_scoped3A : memref<!tpu.dma_semaphore, #tpu.memory_space<semaphore_mem>>) src(%dma_wait3A_21 : memref<125x80xi32, #tpu.memory_space<hbm>>) dst(%arg9 : memref<125x80xi32, #tpu.memory_space<vmem>>)
      tpu.yield
    }) : () -> ()
    %scan3A = arith.constant 0 : i32
    %scan3A_3 = arith.constant 0 : i32
    %scan3A_4 = arith.constant 125 : i32
    %scan3A_5 = arith.addi %scan3A_3, %scan3A_4 : i32
    %scan3A_6 = arith.constant 1 : i32
    scf.for %scan3A_8 = %scan3A_3 to %scan3A_5 step %scan3A_6  : i32 {
      %dma_start3A = arith.constant 0 : i32
      %dma_start3A_9 = tpu.memref_slice %arg8[%scan3A_8, %dma_start3A] : memref<125x80xi32, #tpu.memory_space<vmem>> -> memref<1x80xi32, #tpu.memory_space<vmem>>
      %dma_start3A_10 = tpu.memref_squeeze %dma_start3A_9 : memref<1x80xi32, #tpu.memory_space<vmem>> -> memref<80xi32, #tpu.memory_space<vmem>>
      %dma_start3A_11 = arith.constant 0 : i32
      %dma_start3A_12 = arith.constant 0 : i32
      %dma_start3A_13 = tpu.memref_slice %arg2[%dma_start3A_11, %dma_start3A_12] : memref<10000x128xf32, #tpu.memory_space<hbm>> -> memref<10000x128xf32, #tpu.memory_space<hbm>>
      tpu.enqueue_indirect_dma source(%dma_start3A_13 : memref<10000x128xf32, #tpu.memory_space<hbm>>) target(%arg10 : memref<80x128xf32, #tpu.memory_space<vmem>>) offsets(%dma_start3A_10 : memref<80xi32, #tpu.memory_space<vmem>>) semaphore(%arg12 : memref<!tpu.dma_semaphore, #tpu.memory_space<semaphore_mem>>)
      %dma_start3A_14 = arith.constant 0 : i32
      %dma_start3A_15 = tpu.memref_slice %arg9[%scan3A_8, %dma_start3A_14] : memref<125x80xi32, #tpu.memory_space<vmem>> -> memref<1x80xi32, #tpu.memory_space<vmem>>
      %dma_start3A_16 = tpu.memref_squeeze %dma_start3A_15 : memref<1x80xi32, #tpu.memory_space<vmem>> -> memref<80xi32, #tpu.memory_space<vmem>>
      %dma_start3A_17 = arith.constant 0 : i32
      %dma_start3A_18 = arith.constant 0 : i32
      %dma_start3A_19 = tpu.memref_slice %arg3[%dma_start3A_17, %dma_start3A_18] : memref<10000x128xf32, #tpu.memory_space<hbm>> -> memref<10000x128xf32, #tpu.memory_space<hbm>>
      tpu.enqueue_indirect_dma source(%dma_start3A_19 : memref<10000x128xf32, #tpu.memory_space<hbm>>) target(%arg11 : memref<80x128xf32, #tpu.memory_space<vmem>>) offsets(%dma_start3A_16 : memref<80xi32, #tpu.memory_space<vmem>>) semaphore(%arg13 : memref<!tpu.dma_semaphore, #tpu.memory_space<semaphore_mem>>)
      %dma_wait3A = arith.constant 0 : i32
      %dma_wait3A_20 = tpu.memref_slice %arg8[%scan3A_8, %dma_wait3A] : memref<125x80xi32, #tpu.memory_space<vmem>> -> memref<1x80xi32, #tpu.memory_space<vmem>>
      %dma_wait3A_21 = tpu.memref_squeeze %dma_wait3A_20 : memref<1x80xi32, #tpu.memory_space<vmem>> -> memref<80xi32, #tpu.memory_space<vmem>>
      %dma_wait3A_22 = arith.constant 0 : i32
      %dma_wait3A_23 = arith.constant 0 : i32
      %dma_wait3A_24 = tpu.memref_slice %arg2[%dma_wait3A_22, %dma_wait3A_23] : memref<10000x128xf32, #tpu.memory_space<hbm>> -> memref<10000x128xf32, #tpu.memory_space<hbm>>
      tpu.wait_indirect_dma semaphore(%arg12 : memref<!tpu.dma_semaphore, #tpu.memory_space<semaphore_mem>>) src(%dma_wait3A_24 : memref<10000x128xf32, #tpu.memory_space<hbm>>) dst(%arg10 : memref<80x128xf32, #tpu.memory_space<vmem>>)
      %dma_wait3A_25 = arith.constant 0 : i32
      %dma_wait3A_26 = tpu.memref_slice %arg9[%scan3A_8, %dma_wait3A_25] : memref<125x80xi32, #tpu.memory_space<vmem>> -> memref<1x80xi32, #tpu.memory_space<vmem>>
      %dma_wait3A_27 = tpu.memref_squeeze %dma_wait3A_26 : memref<1x80xi32, #tpu.memory_space<vmem>> -> memref<80xi32, #tpu.memory_space<vmem>>
      %dma_wait3A_28 = arith.constant 0 : i32
      %dma_wait3A_29 = arith.constant 0 : i32
      %dma_wait3A_30 = tpu.memref_slice %arg3[%dma_wait3A_28, %dma_wait3A_29] : memref<10000x128xf32, #tpu.memory_space<hbm>> -> memref<10000x128xf32, #tpu.memory_space<hbm>>
      tpu.wait_indirect_dma semaphore(%arg13 : memref<!tpu.dma_semaphore, #tpu.memory_space<semaphore_mem>>) src(%dma_wait3A_30 : memref<10000x128xf32, #tpu.memory_space<hbm>>) dst(%arg11 : memref<80x128xf32, #tpu.memory_space<vmem>>)
      %add3A_31 = arith.addi %mul3A_2, %scan3A_8 : i32
      %mul3A_32 = arith.constant 80 : i32
      %mul3A_33 = arith.muli %add3A_31, %mul3A_32 : i32
      "tpu.region"() ({
        %run_scoped3A = tpu.sem_alloc : memref<!tpu.dma_semaphore, #tpu.memory_space<semaphore_mem>>
        %dma_start3A_34 = arith.constant 0 : i32
        %dma_start3A_35 = tpu.memref_slice %arg6[%mul3A_33, %dma_start3A_34] : memref<320000x128xf32, #tpu.memory_space<hbm>> -> memref<80x128xf32, #tpu.memory_space<hbm>>
        %dma_start3A_36 = arith.constant 0 : i32
        %dma_start3A_37 = tpu.memref_slice %arg6[%mul3A_33, %dma_start3A_36] : memref<320000x128xf32, #tpu.memory_space<hbm>> -> memref<80x128xf32, #tpu.memory_space<hbm>>
        tpu.enqueue_dma source(%arg10 : memref<80x128xf32, #tpu.memory_space<vmem>>) target(%dma_start3A_37 : memref<80x128xf32, #tpu.memory_space<hbm>>) target_semaphore(%run_scoped3A : memref<!tpu.dma_semaphore, #tpu.memory_space<semaphore_mem>>)
        %dma_wait3A_38 = arith.constant 0 : i32
        %dma_wait3A_39 = tpu.memref_slice %arg6[%mul3A_33, %dma_wait3A_38] : memref<320000x128xf32, #tpu.memory_space<hbm>> -> memref<80x128xf32, #tpu.memory_space<hbm>>
        %dma_wait3A_40 = arith.constant 0 : i32
        %dma_wait3A_41 = tpu.memref_slice %arg6[%mul3A_33, %dma_wait3A_40] : memref<320000x128xf32, #tpu.memory_space<hbm>> -> memref<80x128xf32, #tpu.memory_space<hbm>>
        tpu.wait_dma2 semaphore(%run_scoped3A : memref<!tpu.dma_semaphore, #tpu.memory_space<semaphore_mem>>) src(%arg10 : memref<80x128xf32, #tpu.memory_space<vmem>>) dst(%dma_wait3A_41 : memref<80x128xf32, #tpu.memory_space<hbm>>)
        tpu.yield
      }) : () -> ()
      "tpu.region"() ({
        %run_scoped3A = tpu.sem_alloc : memref<!tpu.dma_semaphore, #tpu.memory_space<semaphore_mem>>
        %dma_start3A_34 = arith.constant 0 : i32
        %dma_start3A_35 = tpu.memref_slice %arg7[%mul3A_33, %dma_start3A_34] : memref<320000x128xf32, #tpu.memory_space<hbm>> -> memref<80x128xf32, #tpu.memory_space<hbm>>
        %dma_start3A_36 = arith.constant 0 : i32
        %dma_start3A_37 = tpu.memref_slice %arg7[%mul3A_33, %dma_start3A_36] : memref<320000x128xf32, #tpu.memory_space<hbm>> -> memref<80x128xf32, #tpu.memory_space<hbm>>
        tpu.enqueue_dma source(%arg11 : memref<80x128xf32, #tpu.memory_space<vmem>>) target(%dma_start3A_37 : memref<80x128xf32, #tpu.memory_space<hbm>>) target_semaphore(%run_scoped3A : memref<!tpu.dma_semaphore, #tpu.memory_space<semaphore_mem>>)
        %dma_wait3A_38 = arith.constant 0 : i32
        %dma_wait3A_39 = tpu.memref_slice %arg7[%mul3A_33, %dma_wait3A_38] : memref<320000x128xf32, #tpu.memory_space<hbm>> -> memref<80x128xf32, #tpu.memory_space<hbm>>
        %dma_wait3A_40 = arith.constant 0 : i32
        %dma_wait3A_41 = tpu.memref_slice %arg7[%mul3A_33, %dma_wait3A_40] : memref<320000x128xf32, #tpu.memory_space<hbm>> -> memref<80x128xf32, #tpu.memory_space<hbm>>
        tpu.wait_dma2 semaphore(%run_scoped3A : memref<!tpu.dma_semaphore, #tpu.memory_space<semaphore_mem>>) src(%arg11 : memref<80x128xf32, #tpu.memory_space<vmem>>) dst(%dma_wait3A_41 : memref<80x128xf32, #tpu.memory_space<hbm>>)
        tpu.yield
      }) : () -> ()
    }
    %scan3A_7 = arith.constant 125 : i32
    return
  }
}

#map = affine_map<(d0, d1) -> (0, 0)>
#map1 = affine_map<(d0, d1) -> (0, 0, 0)>
module attributes {stable_mosaic.version = 14 : i64} {
  func.func @body(%arg0: i32, %arg1: i32, %arg2: memref<10000x128xf32, #tpu.memory_space<hbm>>, %arg3: memref<10000x128xf32, #tpu.memory_space<hbm>>, %arg4: memref<10000x128xf32, #tpu.memory_space<hbm>>, %arg5: memref<32x125x80xi32, #tpu.memory_space<hbm>>, %arg6: memref<32x125x80xi32, #tpu.memory_space<hbm>>, %arg7: memref<320000x128xf32, #tpu.memory_space<hbm>>, %arg8: memref<320000x128xf32, #tpu.memory_space<hbm>>, %arg9: memref<320000x128xf32, #tpu.memory_space<hbm>>, %arg10: memref<125x80xi32, #tpu.memory_space<vmem>>, %arg11: memref<125x80xi32, #tpu.memory_space<vmem>>, %arg12: memref<80x128xf32, #tpu.memory_space<vmem>>, %arg13: memref<80x128xf32, #tpu.memory_space<vmem>>, %arg14: memref<80x128xf32, #tpu.memory_space<vmem>>, %arg15: memref<!tpu.dma_semaphore, #tpu.memory_space<semaphore_mem>>, %arg16: memref<!tpu.dma_semaphore, #tpu.memory_space<semaphore_mem>>, %arg17: memref<!tpu.dma_semaphore, #tpu.memory_space<semaphore_mem>>) attributes {dimension_semantics = [#tpu.dimension_semantics<core_parallel>, #tpu.dimension_semantics<subcore_parallel>], iteration_bounds = array<i64: 2, 16>, scalar_prefetch = 0 : i64, scratch_operands = 8 : i64, tpu.core_type = #tpu.core_type<sc_vector_subcore>, window_params = [{transform_indices = #map}, {transform_indices = #map}, {transform_indices = #map}, {transform_indices = #map1}, {transform_indices = #map1}, {transform_indices = #map}, {transform_indices = #map}, {transform_indices = #map}]} {
    %mul3A = arith.constant 2 : i32
    %mul3A_0 = arith.muli %arg1, %mul3A : i32
    %add3A = arith.addi %mul3A_0, %arg0 : i32
    %mul3A_1 = arith.constant 125 : i32
    %mul3A_2 = arith.muli %add3A, %mul3A_1 : i32
    "tpu.region"() ({
      %run_scoped3A = tpu.sem_alloc : memref<!tpu.dma_semaphore, #tpu.memory_space<semaphore_mem>>
      %dma_start3A = arith.constant 0 : i32
      %dma_start3A_8 = arith.constant 0 : i32
      %dma_start3A_9 = tpu.memref_slice %arg5[%add3A, %dma_start3A, %dma_start3A_8] : memref<32x125x80xi32, #tpu.memory_space<hbm>> -> memref<1x125x80xi32, #tpu.memory_space<hbm>>
      %dma_start3A_10 = tpu.memref_squeeze %dma_start3A_9 : memref<1x125x80xi32, #tpu.memory_space<hbm>> -> memref<125x80xi32, #tpu.memory_space<hbm>>
      %dma_start3A_11 = arith.constant 0 : i32
      %dma_start3A_12 = arith.constant 0 : i32
      %dma_start3A_13 = tpu.memref_slice %arg5[%add3A, %dma_start3A_11, %dma_start3A_12] : memref<32x125x80xi32, #tpu.memory_space<hbm>> -> memref<1x125x80xi32, #tpu.memory_space<hbm>>
      %dma_start3A_14 = tpu.memref_squeeze %dma_start3A_13 : memref<1x125x80xi32, #tpu.memory_space<hbm>> -> memref<125x80xi32, #tpu.memory_space<hbm>>
      tpu.enqueue_dma source(%dma_start3A_14 : memref<125x80xi32, #tpu.memory_space<hbm>>) target(%arg10 : memref<125x80xi32, #tpu.memory_space<vmem>>) target_semaphore(%run_scoped3A : memref<!tpu.dma_semaphore, #tpu.memory_space<semaphore_mem>>)
      %dma_wait3A = arith.constant 0 : i32
      %dma_wait3A_15 = arith.constant 0 : i32
      %dma_wait3A_16 = tpu.memref_slice %arg5[%add3A, %dma_wait3A, %dma_wait3A_15] : memref<32x125x80xi32, #tpu.memory_space<hbm>> -> memref<1x125x80xi32, #tpu.memory_space<hbm>>
      %dma_wait3A_17 = tpu.memref_squeeze %dma_wait3A_16 : memref<1x125x80xi32, #tpu.memory_space<hbm>> -> memref<125x80xi32, #tpu.memory_space<hbm>>
      %dma_wait3A_18 = arith.constant 0 : i32
      %dma_wait3A_19 = arith.constant 0 : i32
      %dma_wait3A_20 = tpu.memref_slice %arg5[%add3A, %dma_wait3A_18, %dma_wait3A_19] : memref<32x125x80xi32, #tpu.memory_space<hbm>> -> memref<1x125x80xi32, #tpu.memory_space<hbm>>
      %dma_wait3A_21 = tpu.memref_squeeze %dma_wait3A_20 : memref<1x125x80xi32, #tpu.memory_space<hbm>> -> memref<125x80xi32, #tpu.memory_space<hbm>>
      tpu.wait_dma2 semaphore(%run_scoped3A : memref<!tpu.dma_semaphore, #tpu.memory_space<semaphore_mem>>) src(%dma_wait3A_21 : memref<125x80xi32, #tpu.memory_space<hbm>>) dst(%arg10 : memref<125x80xi32, #tpu.memory_space<vmem>>)
      tpu.yield
    }) : () -> ()
    "tpu.region"() ({
      %run_scoped3A = tpu.sem_alloc : memref<!tpu.dma_semaphore, #tpu.memory_space<semaphore_mem>>
      %dma_start3A = arith.constant 0 : i32
      %dma_start3A_8 = arith.constant 0 : i32
      %dma_start3A_9 = tpu.memref_slice %arg6[%add3A, %dma_start3A, %dma_start3A_8] : memref<32x125x80xi32, #tpu.memory_space<hbm>> -> memref<1x125x80xi32, #tpu.memory_space<hbm>>
      %dma_start3A_10 = tpu.memref_squeeze %dma_start3A_9 : memref<1x125x80xi32, #tpu.memory_space<hbm>> -> memref<125x80xi32, #tpu.memory_space<hbm>>
      %dma_start3A_11 = arith.constant 0 : i32
      %dma_start3A_12 = arith.constant 0 : i32
      %dma_start3A_13 = tpu.memref_slice %arg6[%add3A, %dma_start3A_11, %dma_start3A_12] : memref<32x125x80xi32, #tpu.memory_space<hbm>> -> memref<1x125x80xi32, #tpu.memory_space<hbm>>
      %dma_start3A_14 = tpu.memref_squeeze %dma_start3A_13 : memref<1x125x80xi32, #tpu.memory_space<hbm>> -> memref<125x80xi32, #tpu.memory_space<hbm>>
      tpu.enqueue_dma source(%dma_start3A_14 : memref<125x80xi32, #tpu.memory_space<hbm>>) target(%arg11 : memref<125x80xi32, #tpu.memory_space<vmem>>) target_semaphore(%run_scoped3A : memref<!tpu.dma_semaphore, #tpu.memory_space<semaphore_mem>>)
      %dma_wait3A = arith.constant 0 : i32
      %dma_wait3A_15 = arith.constant 0 : i32
      %dma_wait3A_16 = tpu.memref_slice %arg6[%add3A, %dma_wait3A, %dma_wait3A_15] : memref<32x125x80xi32, #tpu.memory_space<hbm>> -> memref<1x125x80xi32, #tpu.memory_space<hbm>>
      %dma_wait3A_17 = tpu.memref_squeeze %dma_wait3A_16 : memref<1x125x80xi32, #tpu.memory_space<hbm>> -> memref<125x80xi32, #tpu.memory_space<hbm>>
      %dma_wait3A_18 = arith.constant 0 : i32
      %dma_wait3A_19 = arith.constant 0 : i32
      %dma_wait3A_20 = tpu.memref_slice %arg6[%add3A, %dma_wait3A_18, %dma_wait3A_19] : memref<32x125x80xi32, #tpu.memory_space<hbm>> -> memref<1x125x80xi32, #tpu.memory_space<hbm>>
      %dma_wait3A_21 = tpu.memref_squeeze %dma_wait3A_20 : memref<1x125x80xi32, #tpu.memory_space<hbm>> -> memref<125x80xi32, #tpu.memory_space<hbm>>
      tpu.wait_dma2 semaphore(%run_scoped3A : memref<!tpu.dma_semaphore, #tpu.memory_space<semaphore_mem>>) src(%dma_wait3A_21 : memref<125x80xi32, #tpu.memory_space<hbm>>) dst(%arg11 : memref<125x80xi32, #tpu.memory_space<vmem>>)
      tpu.yield
    }) : () -> ()
    %scan3A = arith.constant 0 : i32
    %scan3A_3 = arith.constant 0 : i32
    %scan3A_4 = arith.constant 125 : i32
    %scan3A_5 = arith.addi %scan3A_3, %scan3A_4 : i32
    %scan3A_6 = arith.constant 1 : i32
    scf.for %scan3A_8 = %scan3A_3 to %scan3A_5 step %scan3A_6  : i32 {
      %dma_start3A = arith.constant 0 : i32
      %dma_start3A_9 = tpu.memref_slice %arg10[%scan3A_8, %dma_start3A] : memref<125x80xi32, #tpu.memory_space<vmem>> -> memref<1x80xi32, #tpu.memory_space<vmem>>
      %dma_start3A_10 = tpu.memref_squeeze %dma_start3A_9 : memref<1x80xi32, #tpu.memory_space<vmem>> -> memref<80xi32, #tpu.memory_space<vmem>>
      %dma_start3A_11 = arith.constant 0 : i32
      %dma_start3A_12 = arith.constant 0 : i32
      %dma_start3A_13 = tpu.memref_slice %arg2[%dma_start3A_11, %dma_start3A_12] : memref<10000x128xf32, #tpu.memory_space<hbm>> -> memref<10000x128xf32, #tpu.memory_space<hbm>>
      tpu.enqueue_indirect_dma source(%dma_start3A_13 : memref<10000x128xf32, #tpu.memory_space<hbm>>) target(%arg12 : memref<80x128xf32, #tpu.memory_space<vmem>>) offsets(%dma_start3A_10 : memref<80xi32, #tpu.memory_space<vmem>>) semaphore(%arg15 : memref<!tpu.dma_semaphore, #tpu.memory_space<semaphore_mem>>)
      %dma_start3A_14 = arith.constant 0 : i32
      %dma_start3A_15 = tpu.memref_slice %arg11[%scan3A_8, %dma_start3A_14] : memref<125x80xi32, #tpu.memory_space<vmem>> -> memref<1x80xi32, #tpu.memory_space<vmem>>
      %dma_start3A_16 = tpu.memref_squeeze %dma_start3A_15 : memref<1x80xi32, #tpu.memory_space<vmem>> -> memref<80xi32, #tpu.memory_space<vmem>>
      %dma_start3A_17 = arith.constant 0 : i32
      %dma_start3A_18 = arith.constant 0 : i32
      %dma_start3A_19 = tpu.memref_slice %arg3[%dma_start3A_17, %dma_start3A_18] : memref<10000x128xf32, #tpu.memory_space<hbm>> -> memref<10000x128xf32, #tpu.memory_space<hbm>>
      tpu.enqueue_indirect_dma source(%dma_start3A_19 : memref<10000x128xf32, #tpu.memory_space<hbm>>) target(%arg13 : memref<80x128xf32, #tpu.memory_space<vmem>>) offsets(%dma_start3A_16 : memref<80xi32, #tpu.memory_space<vmem>>) semaphore(%arg16 : memref<!tpu.dma_semaphore, #tpu.memory_space<semaphore_mem>>)
      %dma_start3A_20 = arith.constant 0 : i32
      %dma_start3A_21 = tpu.memref_slice %arg10[%scan3A_8, %dma_start3A_20] : memref<125x80xi32, #tpu.memory_space<vmem>> -> memref<1x80xi32, #tpu.memory_space<vmem>>
      %dma_start3A_22 = tpu.memref_squeeze %dma_start3A_21 : memref<1x80xi32, #tpu.memory_space<vmem>> -> memref<80xi32, #tpu.memory_space<vmem>>
      %dma_start3A_23 = arith.constant 0 : i32
      %dma_start3A_24 = arith.constant 0 : i32
      %dma_start3A_25 = tpu.memref_slice %arg4[%dma_start3A_23, %dma_start3A_24] : memref<10000x128xf32, #tpu.memory_space<hbm>> -> memref<10000x128xf32, #tpu.memory_space<hbm>>
      tpu.enqueue_indirect_dma source(%dma_start3A_25 : memref<10000x128xf32, #tpu.memory_space<hbm>>) target(%arg14 : memref<80x128xf32, #tpu.memory_space<vmem>>) offsets(%dma_start3A_22 : memref<80xi32, #tpu.memory_space<vmem>>) semaphore(%arg17 : memref<!tpu.dma_semaphore, #tpu.memory_space<semaphore_mem>>)
      %dma_wait3A = arith.constant 0 : i32
      %dma_wait3A_26 = tpu.memref_slice %arg10[%scan3A_8, %dma_wait3A] : memref<125x80xi32, #tpu.memory_space<vmem>> -> memref<1x80xi32, #tpu.memory_space<vmem>>
      %dma_wait3A_27 = tpu.memref_squeeze %dma_wait3A_26 : memref<1x80xi32, #tpu.memory_space<vmem>> -> memref<80xi32, #tpu.memory_space<vmem>>
      %dma_wait3A_28 = arith.constant 0 : i32
      %dma_wait3A_29 = arith.constant 0 : i32
      %dma_wait3A_30 = tpu.memref_slice %arg2[%dma_wait3A_28, %dma_wait3A_29] : memref<10000x128xf32, #tpu.memory_space<hbm>> -> memref<10000x128xf32, #tpu.memory_space<hbm>>
      tpu.wait_indirect_dma semaphore(%arg15 : memref<!tpu.dma_semaphore, #tpu.memory_space<semaphore_mem>>) src(%dma_wait3A_30 : memref<10000x128xf32, #tpu.memory_space<hbm>>) dst(%arg12 : memref<80x128xf32, #tpu.memory_space<vmem>>)
      %dma_wait3A_31 = arith.constant 0 : i32
      %dma_wait3A_32 = tpu.memref_slice %arg11[%scan3A_8, %dma_wait3A_31] : memref<125x80xi32, #tpu.memory_space<vmem>> -> memref<1x80xi32, #tpu.memory_space<vmem>>
      %dma_wait3A_33 = tpu.memref_squeeze %dma_wait3A_32 : memref<1x80xi32, #tpu.memory_space<vmem>> -> memref<80xi32, #tpu.memory_space<vmem>>
      %dma_wait3A_34 = arith.constant 0 : i32
      %dma_wait3A_35 = arith.constant 0 : i32
      %dma_wait3A_36 = tpu.memref_slice %arg3[%dma_wait3A_34, %dma_wait3A_35] : memref<10000x128xf32, #tpu.memory_space<hbm>> -> memref<10000x128xf32, #tpu.memory_space<hbm>>
      tpu.wait_indirect_dma semaphore(%arg16 : memref<!tpu.dma_semaphore, #tpu.memory_space<semaphore_mem>>) src(%dma_wait3A_36 : memref<10000x128xf32, #tpu.memory_space<hbm>>) dst(%arg13 : memref<80x128xf32, #tpu.memory_space<vmem>>)
      %dma_wait3A_37 = arith.constant 0 : i32
      %dma_wait3A_38 = tpu.memref_slice %arg10[%scan3A_8, %dma_wait3A_37] : memref<125x80xi32, #tpu.memory_space<vmem>> -> memref<1x80xi32, #tpu.memory_space<vmem>>
      %dma_wait3A_39 = tpu.memref_squeeze %dma_wait3A_38 : memref<1x80xi32, #tpu.memory_space<vmem>> -> memref<80xi32, #tpu.memory_space<vmem>>
      %dma_wait3A_40 = arith.constant 0 : i32
      %dma_wait3A_41 = arith.constant 0 : i32
      %dma_wait3A_42 = tpu.memref_slice %arg4[%dma_wait3A_40, %dma_wait3A_41] : memref<10000x128xf32, #tpu.memory_space<hbm>> -> memref<10000x128xf32, #tpu.memory_space<hbm>>
      tpu.wait_indirect_dma semaphore(%arg17 : memref<!tpu.dma_semaphore, #tpu.memory_space<semaphore_mem>>) src(%dma_wait3A_42 : memref<10000x128xf32, #tpu.memory_space<hbm>>) dst(%arg14 : memref<80x128xf32, #tpu.memory_space<vmem>>)
      %add3A_43 = arith.addi %mul3A_2, %scan3A_8 : i32
      %mul3A_44 = arith.constant 80 : i32
      %mul3A_45 = arith.muli %add3A_43, %mul3A_44 : i32
      "tpu.region"() ({
        %run_scoped3A = tpu.sem_alloc : memref<!tpu.dma_semaphore, #tpu.memory_space<semaphore_mem>>
        %dma_start3A_46 = arith.constant 0 : i32
        %dma_start3A_47 = tpu.memref_slice %arg7[%mul3A_45, %dma_start3A_46] : memref<320000x128xf32, #tpu.memory_space<hbm>> -> memref<80x128xf32, #tpu.memory_space<hbm>>
        %dma_start3A_48 = arith.constant 0 : i32
        %dma_start3A_49 = tpu.memref_slice %arg7[%mul3A_45, %dma_start3A_48] : memref<320000x128xf32, #tpu.memory_space<hbm>> -> memref<80x128xf32, #tpu.memory_space<hbm>>
        tpu.enqueue_dma source(%arg12 : memref<80x128xf32, #tpu.memory_space<vmem>>) target(%dma_start3A_49 : memref<80x128xf32, #tpu.memory_space<hbm>>) target_semaphore(%run_scoped3A : memref<!tpu.dma_semaphore, #tpu.memory_space<semaphore_mem>>)
        %dma_wait3A_50 = arith.constant 0 : i32
        %dma_wait3A_51 = tpu.memref_slice %arg7[%mul3A_45, %dma_wait3A_50] : memref<320000x128xf32, #tpu.memory_space<hbm>> -> memref<80x128xf32, #tpu.memory_space<hbm>>
        %dma_wait3A_52 = arith.constant 0 : i32
        %dma_wait3A_53 = tpu.memref_slice %arg7[%mul3A_45, %dma_wait3A_52] : memref<320000x128xf32, #tpu.memory_space<hbm>> -> memref<80x128xf32, #tpu.memory_space<hbm>>
        tpu.wait_dma2 semaphore(%run_scoped3A : memref<!tpu.dma_semaphore, #tpu.memory_space<semaphore_mem>>) src(%arg12 : memref<80x128xf32, #tpu.memory_space<vmem>>) dst(%dma_wait3A_53 : memref<80x128xf32, #tpu.memory_space<hbm>>)
        tpu.yield
      }) : () -> ()
      "tpu.region"() ({
        %run_scoped3A = tpu.sem_alloc : memref<!tpu.dma_semaphore, #tpu.memory_space<semaphore_mem>>
        %dma_start3A_46 = arith.constant 0 : i32
        %dma_start3A_47 = tpu.memref_slice %arg8[%mul3A_45, %dma_start3A_46] : memref<320000x128xf32, #tpu.memory_space<hbm>> -> memref<80x128xf32, #tpu.memory_space<hbm>>
        %dma_start3A_48 = arith.constant 0 : i32
        %dma_start3A_49 = tpu.memref_slice %arg8[%mul3A_45, %dma_start3A_48] : memref<320000x128xf32, #tpu.memory_space<hbm>> -> memref<80x128xf32, #tpu.memory_space<hbm>>
        tpu.enqueue_dma source(%arg13 : memref<80x128xf32, #tpu.memory_space<vmem>>) target(%dma_start3A_49 : memref<80x128xf32, #tpu.memory_space<hbm>>) target_semaphore(%run_scoped3A : memref<!tpu.dma_semaphore, #tpu.memory_space<semaphore_mem>>)
        %dma_wait3A_50 = arith.constant 0 : i32
        %dma_wait3A_51 = tpu.memref_slice %arg8[%mul3A_45, %dma_wait3A_50] : memref<320000x128xf32, #tpu.memory_space<hbm>> -> memref<80x128xf32, #tpu.memory_space<hbm>>
        %dma_wait3A_52 = arith.constant 0 : i32
        %dma_wait3A_53 = tpu.memref_slice %arg8[%mul3A_45, %dma_wait3A_52] : memref<320000x128xf32, #tpu.memory_space<hbm>> -> memref<80x128xf32, #tpu.memory_space<hbm>>
        tpu.wait_dma2 semaphore(%run_scoped3A : memref<!tpu.dma_semaphore, #tpu.memory_space<semaphore_mem>>) src(%arg13 : memref<80x128xf32, #tpu.memory_space<vmem>>) dst(%dma_wait3A_53 : memref<80x128xf32, #tpu.memory_space<hbm>>)
        tpu.yield
      }) : () -> ()
      "tpu.region"() ({
        %run_scoped3A = tpu.sem_alloc : memref<!tpu.dma_semaphore, #tpu.memory_space<semaphore_mem>>
        %dma_start3A_46 = arith.constant 0 : i32
        %dma_start3A_47 = tpu.memref_slice %arg9[%mul3A_45, %dma_start3A_46] : memref<320000x128xf32, #tpu.memory_space<hbm>> -> memref<80x128xf32, #tpu.memory_space<hbm>>
        %dma_start3A_48 = arith.constant 0 : i32
        %dma_start3A_49 = tpu.memref_slice %arg9[%mul3A_45, %dma_start3A_48] : memref<320000x128xf32, #tpu.memory_space<hbm>> -> memref<80x128xf32, #tpu.memory_space<hbm>>
        tpu.enqueue_dma source(%arg14 : memref<80x128xf32, #tpu.memory_space<vmem>>) target(%dma_start3A_49 : memref<80x128xf32, #tpu.memory_space<hbm>>) target_semaphore(%run_scoped3A : memref<!tpu.dma_semaphore, #tpu.memory_space<semaphore_mem>>)
        %dma_wait3A_50 = arith.constant 0 : i32
        %dma_wait3A_51 = tpu.memref_slice %arg9[%mul3A_45, %dma_wait3A_50] : memref<320000x128xf32, #tpu.memory_space<hbm>> -> memref<80x128xf32, #tpu.memory_space<hbm>>
        %dma_wait3A_52 = arith.constant 0 : i32
        %dma_wait3A_53 = tpu.memref_slice %arg9[%mul3A_45, %dma_wait3A_52] : memref<320000x128xf32, #tpu.memory_space<hbm>> -> memref<80x128xf32, #tpu.memory_space<hbm>>
        tpu.wait_dma2 semaphore(%run_scoped3A : memref<!tpu.dma_semaphore, #tpu.memory_space<semaphore_mem>>) src(%arg14 : memref<80x128xf32, #tpu.memory_space<vmem>>) dst(%dma_wait3A_53 : memref<80x128xf32, #tpu.memory_space<hbm>>)
        tpu.yield
      }) : () -> ()
    }
    %scan3A_7 = arith.constant 125 : i32
    return
  }
}

#map = affine_map<(d0, d1) -> (0, 0)>
#map1 = affine_map<(d0, d1) -> (0, 0, 0)>
module attributes {stable_mosaic.version = 14 : i64} {
  func.func @_scatter_body(%arg0: i32, %arg1: i32, %arg2: memref<320000x128xf32, #tpu.memory_space<hbm>>, %arg3: memref<320000x128xf32, #tpu.memory_space<hbm>>, %arg4: memref<16x250x80xi32, #tpu.memory_space<hbm>>, %arg5: memref<10000x128xf32, #tpu.memory_space<hbm>>, %arg6: memref<10000x128xf32, #tpu.memory_space<hbm>>, %arg7: memref<10000x128xf32, #tpu.memory_space<vmem_shared>>, %arg8: memref<80xi32, #tpu.memory_space<vmem>>, %arg9: memref<80x128xf32, #tpu.memory_space<vmem>>) attributes {dimension_semantics = [#tpu.dimension_semantics<core_parallel>, #tpu.dimension_semantics<subcore_parallel>], iteration_bounds = array<i64: 2, 16>, scalar_prefetch = 0 : i64, scratch_operands = 3 : i64, tpu.core_type = #tpu.core_type<sc_vector_subcore>, window_params = [{transform_indices = #map}, {transform_indices = #map}, {transform_indices = #map1}, {transform_indices = #map}, {transform_indices = #map}]} {
    %broadcast_in_dim3A = arith.constant 0.000000e+00 : f32
    %broadcast_in_dim3A_0 = vector.broadcast %broadcast_in_dim3A : f32 to vector<16xf32>
    %scan3A = arith.constant 0 : i32
    %scan3A_1 = arith.constant 0 : i32
    %scan3A_2 = arith.constant 80 : i32
    %scan3A_3 = arith.addi %scan3A_1, %scan3A_2 : i32
    %scan3A_4 = arith.constant 1 : i32
    scf.for %scan3A_76 = %scan3A_1 to %scan3A_3 step %scan3A_4  : i32 {
      %swap3A = arith.index_cast %scan3A_76 : i32 to index
      %swap3A_77 = arith.constant 0 : index
      %swap3A_78 = tpu.vector_load %arg9[%swap3A, %swap3A_77] {strides = array<i32>} : memref<80x128xf32, #tpu.memory_space<vmem>>, vector<1x16xf32>,
      %swap3A_79 = vector.shape_cast %swap3A_78 : vector<1x16xf32> to vector<16xf32>
      %swap3A_80 = vector.shape_cast %broadcast_in_dim3A_0 : vector<16xf32> to vector<1x16xf32>
      tpu.vector_store %arg9[%swap3A, %swap3A_77], %swap3A_80 {strides = array<i32>} : memref<80x128xf32, #tpu.memory_space<vmem>>, vector<1x16xf32>,
      %swap3A_81 = arith.index_cast %scan3A_76 : i32 to index
      %swap3A_82 = arith.constant 16 : index
      %swap3A_83 = tpu.vector_load %arg9[%swap3A_81, %swap3A_82] {strides = array<i32>} : memref<80x128xf32, #tpu.memory_space<vmem>>, vector<1x16xf32>,
      %swap3A_84 = vector.shape_cast %swap3A_83 : vector<1x16xf32> to vector<16xf32>
      %swap3A_85 = vector.shape_cast %broadcast_in_dim3A_0 : vector<16xf32> to vector<1x16xf32>
      tpu.vector_store %arg9[%swap3A_81, %swap3A_82], %swap3A_85 {strides = array<i32>} : memref<80x128xf32, #tpu.memory_space<vmem>>, vector<1x16xf32>,
      %swap3A_86 = arith.index_cast %scan3A_76 : i32 to index
      %swap3A_87 = arith.constant 32 : index
      %swap3A_88 = tpu.vector_load %arg9[%swap3A_86, %swap3A_87] {strides = array<i32>} : memref<80x128xf32, #tpu.memory_space<vmem>>, vector<1x16xf32>,
      %swap3A_89 = vector.shape_cast %swap3A_88 : vector<1x16xf32> to vector<16xf32>
      %swap3A_90 = vector.shape_cast %broadcast_in_dim3A_0 : vector<16xf32> to vector<1x16xf32>
      tpu.vector_store %arg9[%swap3A_86, %swap3A_87], %swap3A_90 {strides = array<i32>} : memref<80x128xf32, #tpu.memory_space<vmem>>, vector<1x16xf32>,
      %swap3A_91 = arith.index_cast %scan3A_76 : i32 to index
      %swap3A_92 = arith.constant 48 : index
      %swap3A_93 = tpu.vector_load %arg9[%swap3A_91, %swap3A_92] {strides = array<i32>} : memref<80x128xf32, #tpu.memory_space<vmem>>, vector<1x16xf32>,
      %swap3A_94 = vector.shape_cast %swap3A_93 : vector<1x16xf32> to vector<16xf32>
      %swap3A_95 = vector.shape_cast %broadcast_in_dim3A_0 : vector<16xf32> to vector<1x16xf32>
      tpu.vector_store %arg9[%swap3A_91, %swap3A_92], %swap3A_95 {strides = array<i32>} : memref<80x128xf32, #tpu.memory_space<vmem>>, vector<1x16xf32>,
      %swap3A_96 = arith.index_cast %scan3A_76 : i32 to index
      %swap3A_97 = arith.constant 64 : index
      %swap3A_98 = tpu.vector_load %arg9[%swap3A_96, %swap3A_97] {strides = array<i32>} : memref<80x128xf32, #tpu.memory_space<vmem>>, vector<1x16xf32>,
      %swap3A_99 = vector.shape_cast %swap3A_98 : vector<1x16xf32> to vector<16xf32>
      %swap3A_100 = vector.shape_cast %broadcast_in_dim3A_0 : vector<16xf32> to vector<1x16xf32>
      tpu.vector_store %arg9[%swap3A_96, %swap3A_97], %swap3A_100 {strides = array<i32>} : memref<80x128xf32, #tpu.memory_space<vmem>>, vector<1x16xf32>,
      %swap3A_101 = arith.index_cast %scan3A_76 : i32 to index
      %swap3A_102 = arith.constant 80 : index
      %swap3A_103 = tpu.vector_load %arg9[%swap3A_101, %swap3A_102] {strides = array<i32>} : memref<80x128xf32, #tpu.memory_space<vmem>>, vector<1x16xf32>,
      %swap3A_104 = vector.shape_cast %swap3A_103 : vector<1x16xf32> to vector<16xf32>
      %swap3A_105 = vector.shape_cast %broadcast_in_dim3A_0 : vector<16xf32> to vector<1x16xf32>
      tpu.vector_store %arg9[%swap3A_101, %swap3A_102], %swap3A_105 {strides = array<i32>} : memref<80x128xf32, #tpu.memory_space<vmem>>, vector<1x16xf32>,
      %swap3A_106 = arith.index_cast %scan3A_76 : i32 to index
      %swap3A_107 = arith.constant 96 : index
      %swap3A_108 = tpu.vector_load %arg9[%swap3A_106, %swap3A_107] {strides = array<i32>} : memref<80x128xf32, #tpu.memory_space<vmem>>, vector<1x16xf32>,
      %swap3A_109 = vector.shape_cast %swap3A_108 : vector<1x16xf32> to vector<16xf32>
      %swap3A_110 = vector.shape_cast %broadcast_in_dim3A_0 : vector<16xf32> to vector<1x16xf32>
      tpu.vector_store %arg9[%swap3A_106, %swap3A_107], %swap3A_110 {strides = array<i32>} : memref<80x128xf32, #tpu.memory_space<vmem>>, vector<1x16xf32>,
      %swap3A_111 = arith.index_cast %scan3A_76 : i32 to index
      %swap3A_112 = arith.constant 112 : index
      %swap3A_113 = tpu.vector_load %arg9[%swap3A_111, %swap3A_112] {strides = array<i32>} : memref<80x128xf32, #tpu.memory_space<vmem>>, vector<1x16xf32>,
      %swap3A_114 = vector.shape_cast %swap3A_113 : vector<1x16xf32> to vector<16xf32>
      %swap3A_115 = vector.shape_cast %broadcast_in_dim3A_0 : vector<16xf32> to vector<1x16xf32>
      tpu.vector_store %arg9[%swap3A_111, %swap3A_112], %swap3A_115 {strides = array<i32>} : memref<80x128xf32, #tpu.memory_space<vmem>>, vector<1x16xf32>,
    }
    %scan3A_5 = arith.constant 80 : i32
    %mul3A = arith.constant 125 : i32
    %mul3A_6 = arith.muli %arg1, %mul3A : i32
    %jit3A = arith.constant 16 : i32
    %div3A = arith.divsi %mul3A_6, %jit3A : i32
    %sign3A = arith.constant 0 : i32
    %sign3A_7 = arith.cmpi sgt, %mul3A_6, %sign3A : i32
    %sign3A_8 = arith.extui %sign3A_7 : i1 to i32
    %sign3A_9 = arith.constant 0 : i32
    %sign3A_10 = arith.cmpi slt, %mul3A_6, %sign3A_9 : i32
    %sign3A_11 = arith.extui %sign3A_10 : i1 to i32
    %sign3A_12 = arith.subi %sign3A_8, %sign3A_11 : i32
    %sign3A_13 = arith.constant 0 : i32
    %sign3A_14 = arith.cmpi sgt, %jit3A, %sign3A_13 : i32
    %sign3A_15 = arith.extui %sign3A_14 : i1 to i32
    %sign3A_16 = arith.constant 0 : i32
    %sign3A_17 = arith.cmpi slt, %jit3A, %sign3A_16 : i32
    %sign3A_18 = arith.extui %sign3A_17 : i1 to i32
    %sign3A_19 = arith.subi %sign3A_15, %sign3A_18 : i32
    %ne3A = arith.cmpi ne, %sign3A_12, %sign3A_19 : i32
    %rem3A = arith.remsi %mul3A_6, %jit3A : i32
    %ne3A_20 = arith.constant 0 : i32
    %ne3A_21 = arith.cmpi ne, %rem3A, %ne3A_20 : i32
    %and3A = arith.andi %ne3A, %ne3A_21 : i1
    %sub3A = arith.constant 1 : i32
    %sub3A_22 = arith.subi %div3A, %sub3A : i32
    %select_n3A = arith.select %and3A, %sub3A_22, %div3A : i32
    %add3A = arith.constant 1 : i32
    %add3A_23 = arith.addi %arg1, %add3A : i32
    %mul3A_24 = arith.constant 125 : i32
    %mul3A_25 = arith.muli %add3A_23, %mul3A_24 : i32
    %jit3A_26 = arith.constant 16 : i32
    %div3A_27 = arith.divsi %mul3A_25, %jit3A_26 : i32
    %sign3A_28 = arith.constant 0 : i32
    %sign3A_29 = arith.cmpi sgt, %mul3A_25, %sign3A_28 : i32
    %sign3A_30 = arith.extui %sign3A_29 : i1 to i32
    %sign3A_31 = arith.constant 0 : i32
    %sign3A_32 = arith.cmpi slt, %mul3A_25, %sign3A_31 : i32
    %sign3A_33 = arith.extui %sign3A_32 : i1 to i32
    %sign3A_34 = arith.subi %sign3A_30, %sign3A_33 : i32
    %sign3A_35 = arith.constant 0 : i32
    %sign3A_36 = arith.cmpi sgt, %jit3A_26, %sign3A_35 : i32
    %sign3A_37 = arith.extui %sign3A_36 : i1 to i32
    %sign3A_38 = arith.constant 0 : i32
    %sign3A_39 = arith.cmpi slt, %jit3A_26, %sign3A_38 : i32
    %sign3A_40 = arith.extui %sign3A_39 : i1 to i32
    %sign3A_41 = arith.subi %sign3A_37, %sign3A_40 : i32
    %ne3A_42 = arith.cmpi ne, %sign3A_34, %sign3A_41 : i32
    %rem3A_43 = arith.remsi %mul3A_25, %jit3A_26 : i32
    %ne3A_44 = arith.constant 0 : i32
    %ne3A_45 = arith.cmpi ne, %rem3A_43, %ne3A_44 : i32
    %and3A_46 = arith.andi %ne3A_42, %ne3A_45 : i1
    %sub3A_47 = arith.constant 1 : i32
    %sub3A_48 = arith.subi %div3A_27, %sub3A_47 : i32
    %select_n3A_49 = arith.select %and3A_46, %sub3A_48, %div3A_27 : i32
    %while3A = arith.constant 0 : i32
    %while3A_50 = arith.subi %select_n3A_49, %select_n3A : i32
    %while3A_51 = arith.addi %select_n3A, %while3A_50 : i32
    %while3A_52 = arith.constant 1 : i32
    %while3A_53 = arith.divsi %while3A_50, %while3A_52 : i32
    %while3A_54 = arith.muli %while3A_53, %while3A_52 : i32
    %while3A_55 = arith.addi %select_n3A, %while3A_54 : i32
    %while3A_56 = arith.constant 1 : i32
    scf.for %while3A_76 = %select_n3A to %while3A_55 step %while3A_56  : i32 {
      %iota3A = tpu.iota {dimensions = array<i32: 0>} : vector<16xi32>
      %mul3A_77 = arith.constant 80 : i32
      %mul3A_78 = arith.muli %while3A_76, %mul3A_77 : i32
      %add3A_79 = vector.broadcast %mul3A_78 : i32 to vector<16xi32>
      %add3A_80 = arith.addi %iota3A, %add3A_79 : vector<16xi32>
      %add3A_81 = arith.constant 0 : i32
      %add3A_82 = vector.broadcast %add3A_81 : i32 to vector<16xi32>
      %add3A_83 = arith.addi %add3A_80, %add3A_82 : vector<16xi32>
      %swap3A = arith.constant 0 : index
      %swap3A_84 = tpu.vector_load %arg8[%swap3A] {strides = array<i32>} : memref<80xi32, #tpu.memory_space<vmem>>, vector<16xi32>,
      %swap3A_85 = vector.shape_cast %swap3A_84 : vector<16xi32> to vector<16xi32>
      %swap3A_86 = vector.shape_cast %add3A_83 : vector<16xi32> to vector<16xi32>
      tpu.vector_store %arg8[%swap3A], %swap3A_86 {strides = array<i32>} : memref<80xi32, #tpu.memory_space<vmem>>, vector<16xi32>,
      %iota3A_87 = tpu.iota {dimensions = array<i32: 0>} : vector<16xi32>
      %mul3A_88 = arith.constant 80 : i32
      %mul3A_89 = arith.muli %while3A_76, %mul3A_88 : i32
      %add3A_90 = vector.broadcast %mul3A_89 : i32 to vector<16xi32>
      %add3A_91 = arith.addi %iota3A_87, %add3A_90 : vector<16xi32>
      %add3A_92 = arith.constant 16 : i32
      %add3A_93 = vector.broadcast %add3A_92 : i32 to vector<16xi32>
      %add3A_94 = arith.addi %add3A_91, %add3A_93 : vector<16xi32>
      %swap3A_95 = arith.constant 16 : index
      %swap3A_96 = tpu.vector_load %arg8[%swap3A_95] {strides = array<i32>} : memref<80xi32, #tpu.memory_space<vmem>>, vector<16xi32>,
      %swap3A_97 = vector.shape_cast %swap3A_96 : vector<16xi32> to vector<16xi32>
      %swap3A_98 = vector.shape_cast %add3A_94 : vector<16xi32> to vector<16xi32>
      tpu.vector_store %arg8[%swap3A_95], %swap3A_98 {strides = array<i32>} : memref<80xi32, #tpu.memory_space<vmem>>, vector<16xi32>,
      %iota3A_99 = tpu.iota {dimensions = array<i32: 0>} : vector<16xi32>
      %mul3A_100 = arith.constant 80 : i32
      %mul3A_101 = arith.muli %while3A_76, %mul3A_100 : i32
      %add3A_102 = vector.broadcast %mul3A_101 : i32 to vector<16xi32>
      %add3A_103 = arith.addi %iota3A_99, %add3A_102 : vector<16xi32>
      %add3A_104 = arith.constant 32 : i32
      %add3A_105 = vector.broadcast %add3A_104 : i32 to vector<16xi32>
      %add3A_106 = arith.addi %add3A_103, %add3A_105 : vector<16xi32>
      %swap3A_107 = arith.constant 32 : index
      %swap3A_108 = tpu.vector_load %arg8[%swap3A_107] {strides = array<i32>} : memref<80xi32, #tpu.memory_space<vmem>>, vector<16xi32>,
      %swap3A_109 = vector.shape_cast %swap3A_108 : vector<16xi32> to vector<16xi32>
      %swap3A_110 = vector.shape_cast %add3A_106 : vector<16xi32> to vector<16xi32>
      tpu.vector_store %arg8[%swap3A_107], %swap3A_110 {strides = array<i32>} : memref<80xi32, #tpu.memory_space<vmem>>, vector<16xi32>,
      %iota3A_111 = tpu.iota {dimensions = array<i32: 0>} : vector<16xi32>
      %mul3A_112 = arith.constant 80 : i32
      %mul3A_113 = arith.muli %while3A_76, %mul3A_112 : i32
      %add3A_114 = vector.broadcast %mul3A_113 : i32 to vector<16xi32>
      %add3A_115 = arith.addi %iota3A_111, %add3A_114 : vector<16xi32>
      %add3A_116 = arith.constant 48 : i32
      %add3A_117 = vector.broadcast %add3A_116 : i32 to vector<16xi32>
      %add3A_118 = arith.addi %add3A_115, %add3A_117 : vector<16xi32>
      %swap3A_119 = arith.constant 48 : index
      %swap3A_120 = tpu.vector_load %arg8[%swap3A_119] {strides = array<i32>} : memref<80xi32, #tpu.memory_space<vmem>>, vector<16xi32>,
      %swap3A_121 = vector.shape_cast %swap3A_120 : vector<16xi32> to vector<16xi32>
      %swap3A_122 = vector.shape_cast %add3A_118 : vector<16xi32> to vector<16xi32>
      tpu.vector_store %arg8[%swap3A_119], %swap3A_122 {strides = array<i32>} : memref<80xi32, #tpu.memory_space<vmem>>, vector<16xi32>,
      %iota3A_123 = tpu.iota {dimensions = array<i32: 0>} : vector<16xi32>
      %mul3A_124 = arith.constant 80 : i32
      %mul3A_125 = arith.muli %while3A_76, %mul3A_124 : i32
      %add3A_126 = vector.broadcast %mul3A_125 : i32 to vector<16xi32>
      %add3A_127 = arith.addi %iota3A_123, %add3A_126 : vector<16xi32>
      %add3A_128 = arith.constant 64 : i32
      %add3A_129 = vector.broadcast %add3A_128 : i32 to vector<16xi32>
      %add3A_130 = arith.addi %add3A_127, %add3A_129 : vector<16xi32>
      %swap3A_131 = arith.constant 64 : index
      %swap3A_132 = tpu.vector_load %arg8[%swap3A_131] {strides = array<i32>} : memref<80xi32, #tpu.memory_space<vmem>>, vector<16xi32>,
      %swap3A_133 = vector.shape_cast %swap3A_132 : vector<16xi32> to vector<16xi32>
      %swap3A_134 = vector.shape_cast %add3A_130 : vector<16xi32> to vector<16xi32>
      tpu.vector_store %arg8[%swap3A_131], %swap3A_134 {strides = array<i32>} : memref<80xi32, #tpu.memory_space<vmem>>, vector<16xi32>,
      "tpu.region"() ({
        %run_scoped3A = tpu.sem_alloc : memref<!tpu.dma_semaphore, #tpu.memory_space<semaphore_mem>>
        %dma_start3A = arith.constant 0 : i32
        %dma_start3A_135 = arith.constant 0 : i32
        %dma_start3A_136 = tpu.memref_slice %arg7[%dma_start3A, %dma_start3A_135] : memref<10000x128xf32, #tpu.memory_space<vmem_shared>> -> memref<10000x128xf32, #tpu.memory_space<vmem_shared>>
        tpu.enqueue_indirect_dma source(%arg9 : memref<80x128xf32, #tpu.memory_space<vmem>>) target(%dma_start3A_136 : memref<10000x128xf32, #tpu.memory_space<vmem_shared>>) offsets(%arg8 : memref<80xi32, #tpu.memory_space<vmem>>) semaphore(%run_scoped3A : memref<!tpu.dma_semaphore, #tpu.memory_space<semaphore_mem>>)
        %dma_wait3A = arith.constant 0 : i32
        %dma_wait3A_137 = arith.constant 0 : i32
        %dma_wait3A_138 = tpu.memref_slice %arg7[%dma_wait3A, %dma_wait3A_137] : memref<10000x128xf32, #tpu.memory_space<vmem_shared>> -> memref<10000x128xf32, #tpu.memory_space<vmem_shared>>
        tpu.wait_indirect_dma semaphore(%run_scoped3A : memref<!tpu.dma_semaphore, #tpu.memory_space<semaphore_mem>>) src(%arg9 : memref<80x128xf32, #tpu.memory_space<vmem>>) dst(%dma_wait3A_138 : memref<10000x128xf32, #tpu.memory_space<vmem_shared>>)
        tpu.yield
      }) : () -> ()
    }
    %while3A_57 = arith.constant 1 : i32
    scf.for %while3A_76 = %while3A_55 to %while3A_51 step %while3A_57  : i32 {
      %iota3A = tpu.iota {dimensions = array<i32: 0>} : vector<16xi32>
      %mul3A_77 = arith.constant 80 : i32
      %mul3A_78 = arith.muli %while3A_76, %mul3A_77 : i32
      %add3A_79 = vector.broadcast %mul3A_78 : i32 to vector<16xi32>
      %add3A_80 = arith.addi %iota3A, %add3A_79 : vector<16xi32>
      %add3A_81 = arith.constant 0 : i32
      %add3A_82 = vector.broadcast %add3A_81 : i32 to vector<16xi32>
      %add3A_83 = arith.addi %add3A_80, %add3A_82 : vector<16xi32>
      %swap3A = arith.constant 0 : index
      %swap3A_84 = tpu.vector_load %arg8[%swap3A] {strides = array<i32>} : memref<80xi32, #tpu.memory_space<vmem>>, vector<16xi32>,
      %swap3A_85 = vector.shape_cast %swap3A_84 : vector<16xi32> to vector<16xi32>
      %swap3A_86 = vector.shape_cast %add3A_83 : vector<16xi32> to vector<16xi32>
      tpu.vector_store %arg8[%swap3A], %swap3A_86 {strides = array<i32>} : memref<80xi32, #tpu.memory_space<vmem>>, vector<16xi32>,
      %iota3A_87 = tpu.iota {dimensions = array<i32: 0>} : vector<16xi32>
      %mul3A_88 = arith.constant 80 : i32
      %mul3A_89 = arith.muli %while3A_76, %mul3A_88 : i32
      %add3A_90 = vector.broadcast %mul3A_89 : i32 to vector<16xi32>
      %add3A_91 = arith.addi %iota3A_87, %add3A_90 : vector<16xi32>
      %add3A_92 = arith.constant 16 : i32
      %add3A_93 = vector.broadcast %add3A_92 : i32 to vector<16xi32>
      %add3A_94 = arith.addi %add3A_91, %add3A_93 : vector<16xi32>
      %swap3A_95 = arith.constant 16 : index
      %swap3A_96 = tpu.vector_load %arg8[%swap3A_95] {strides = array<i32>} : memref<80xi32, #tpu.memory_space<vmem>>, vector<16xi32>,
      %swap3A_97 = vector.shape_cast %swap3A_96 : vector<16xi32> to vector<16xi32>
      %swap3A_98 = vector.shape_cast %add3A_94 : vector<16xi32> to vector<16xi32>
      tpu.vector_store %arg8[%swap3A_95], %swap3A_98 {strides = array<i32>} : memref<80xi32, #tpu.memory_space<vmem>>, vector<16xi32>,
      %iota3A_99 = tpu.iota {dimensions = array<i32: 0>} : vector<16xi32>
      %mul3A_100 = arith.constant 80 : i32
      %mul3A_101 = arith.muli %while3A_76, %mul3A_100 : i32
      %add3A_102 = vector.broadcast %mul3A_101 : i32 to vector<16xi32>
      %add3A_103 = arith.addi %iota3A_99, %add3A_102 : vector<16xi32>
      %add3A_104 = arith.constant 32 : i32
      %add3A_105 = vector.broadcast %add3A_104 : i32 to vector<16xi32>
      %add3A_106 = arith.addi %add3A_103, %add3A_105 : vector<16xi32>
      %swap3A_107 = arith.constant 32 : index
      %swap3A_108 = tpu.vector_load %arg8[%swap3A_107] {strides = array<i32>} : memref<80xi32, #tpu.memory_space<vmem>>, vector<16xi32>,
      %swap3A_109 = vector.shape_cast %swap3A_108 : vector<16xi32> to vector<16xi32>
      %swap3A_110 = vector.shape_cast %add3A_106 : vector<16xi32> to vector<16xi32>
      tpu.vector_store %arg8[%swap3A_107], %swap3A_110 {strides = array<i32>} : memref<80xi32, #tpu.memory_space<vmem>>, vector<16xi32>,
      %iota3A_111 = tpu.iota {dimensions = array<i32: 0>} : vector<16xi32>
      %mul3A_112 = arith.constant 80 : i32
      %mul3A_113 = arith.muli %while3A_76, %mul3A_112 : i32
      %add3A_114 = vector.broadcast %mul3A_113 : i32 to vector<16xi32>
      %add3A_115 = arith.addi %iota3A_111, %add3A_114 : vector<16xi32>
      %add3A_116 = arith.constant 48 : i32
      %add3A_117 = vector.broadcast %add3A_116 : i32 to vector<16xi32>
      %add3A_118 = arith.addi %add3A_115, %add3A_117 : vector<16xi32>
      %swap3A_119 = arith.constant 48 : index
      %swap3A_120 = tpu.vector_load %arg8[%swap3A_119] {strides = array<i32>} : memref<80xi32, #tpu.memory_space<vmem>>, vector<16xi32>,
      %swap3A_121 = vector.shape_cast %swap3A_120 : vector<16xi32> to vector<16xi32>
      %swap3A_122 = vector.shape_cast %add3A_118 : vector<16xi32> to vector<16xi32>
      tpu.vector_store %arg8[%swap3A_119], %swap3A_122 {strides = array<i32>} : memref<80xi32, #tpu.memory_space<vmem>>, vector<16xi32>,
      %iota3A_123 = tpu.iota {dimensions = array<i32: 0>} : vector<16xi32>
      %mul3A_124 = arith.constant 80 : i32
      %mul3A_125 = arith.muli %while3A_76, %mul3A_124 : i32
      %add3A_126 = vector.broadcast %mul3A_125 : i32 to vector<16xi32>
      %add3A_127 = arith.addi %iota3A_123, %add3A_126 : vector<16xi32>
      %add3A_128 = arith.constant 64 : i32
      %add3A_129 = vector.broadcast %add3A_128 : i32 to vector<16xi32>
      %add3A_130 = arith.addi %add3A_127, %add3A_129 : vector<16xi32>
      %swap3A_131 = arith.constant 64 : index
      %swap3A_132 = tpu.vector_load %arg8[%swap3A_131] {strides = array<i32>} : memref<80xi32, #tpu.memory_space<vmem>>, vector<16xi32>,
      %swap3A_133 = vector.shape_cast %swap3A_132 : vector<16xi32> to vector<16xi32>
      %swap3A_134 = vector.shape_cast %add3A_130 : vector<16xi32> to vector<16xi32>
      tpu.vector_store %arg8[%swap3A_131], %swap3A_134 {strides = array<i32>} : memref<80xi32, #tpu.memory_space<vmem>>, vector<16xi32>,
      "tpu.region"() ({
        %run_scoped3A = tpu.sem_alloc : memref<!tpu.dma_semaphore, #tpu.memory_space<semaphore_mem>>
        %dma_start3A = arith.constant 0 : i32
        %dma_start3A_135 = arith.constant 0 : i32
        %dma_start3A_136 = tpu.memref_slice %arg7[%dma_start3A, %dma_start3A_135] : memref<10000x128xf32, #tpu.memory_space<vmem_shared>> -> memref<10000x128xf32, #tpu.memory_space<vmem_shared>>
        tpu.enqueue_indirect_dma source(%arg9 : memref<80x128xf32, #tpu.memory_space<vmem>>) target(%dma_start3A_136 : memref<10000x128xf32, #tpu.memory_space<vmem_shared>>) offsets(%arg8 : memref<80xi32, #tpu.memory_space<vmem>>) semaphore(%run_scoped3A : memref<!tpu.dma_semaphore, #tpu.memory_space<semaphore_mem>>)
        %dma_wait3A = arith.constant 0 : i32
        %dma_wait3A_137 = arith.constant 0 : i32
        %dma_wait3A_138 = tpu.memref_slice %arg7[%dma_wait3A, %dma_wait3A_137] : memref<10000x128xf32, #tpu.memory_space<vmem_shared>> -> memref<10000x128xf32, #tpu.memory_space<vmem_shared>>
        tpu.wait_indirect_dma semaphore(%run_scoped3A : memref<!tpu.dma_semaphore, #tpu.memory_space<semaphore_mem>>) src(%arg9 : memref<80x128xf32, #tpu.memory_space<vmem>>) dst(%dma_wait3A_138 : memref<10000x128xf32, #tpu.memory_space<vmem_shared>>)
        tpu.yield
      }) : () -> ()
    }
    %barrier3A = arith.constant 0 : index
    tpu.barrier barrier_id(%barrier3A)
    %eq3A = arith.constant 0 : i32
    %eq3A_58 = arith.cmpi eq, %arg0, %eq3A : i32
    %convert_element_type3A = arith.extui %eq3A_58 : i1 to i32
    %cond3A = arith.constant 0 : i32
    %cond3A_59 = arith.cmpi ne, %convert_element_type3A, %cond3A : i32
    scf.if %cond3A_59 {
      %scan3A_76 = arith.constant 0 : i32
      %scan3A_77 = arith.constant 0 : i32
      %scan3A_78 = arith.constant 250 : i32
      %scan3A_79 = arith.addi %scan3A_77, %scan3A_78 : i32
      %scan3A_80 = arith.constant 1 : i32
      scf.for %scan3A_82 = %scan3A_77 to %scan3A_79 step %scan3A_80  : i32 {
        %mul3A_83 = arith.constant 250 : i32
        %mul3A_84 = arith.muli %arg1, %mul3A_83 : i32
        %add3A_85 = arith.addi %mul3A_84, %scan3A_82 : i32
        %mul3A_86 = arith.constant 80 : i32
        %mul3A_87 = arith.muli %add3A_85, %mul3A_86 : i32
        "tpu.region"() ({
          %run_scoped3A = tpu.sem_alloc : memref<!tpu.dma_semaphore, #tpu.memory_space<semaphore_mem>>
          %dma_start3A = arith.constant 0 : i32
          %dma_start3A_88 = tpu.memref_slice %arg2[%mul3A_87, %dma_start3A] : memref<320000x128xf32, #tpu.memory_space<hbm>> -> memref<80x128xf32, #tpu.memory_space<hbm>>
          %dma_start3A_89 = arith.constant 0 : i32
          %dma_start3A_90 = tpu.memref_slice %arg2[%mul3A_87, %dma_start3A_89] : memref<320000x128xf32, #tpu.memory_space<hbm>> -> memref<80x128xf32, #tpu.memory_space<hbm>>
          tpu.enqueue_dma source(%dma_start3A_90 : memref<80x128xf32, #tpu.memory_space<hbm>>) target(%arg9 : memref<80x128xf32, #tpu.memory_space<vmem>>) target_semaphore(%run_scoped3A : memref<!tpu.dma_semaphore, #tpu.memory_space<semaphore_mem>>)
          %dma_wait3A = arith.constant 0 : i32
          %dma_wait3A_91 = tpu.memref_slice %arg2[%mul3A_87, %dma_wait3A] : memref<320000x128xf32, #tpu.memory_space<hbm>> -> memref<80x128xf32, #tpu.memory_space<hbm>>
          %dma_wait3A_92 = arith.constant 0 : i32
          %dma_wait3A_93 = tpu.memref_slice %arg2[%mul3A_87, %dma_wait3A_92] : memref<320000x128xf32, #tpu.memory_space<hbm>> -> memref<80x128xf32, #tpu.memory_space<hbm>>
          tpu.wait_dma2 semaphore(%run_scoped3A : memref<!tpu.dma_semaphore, #tpu.memory_space<semaphore_mem>>) src(%dma_wait3A_93 : memref<80x128xf32, #tpu.memory_space<hbm>>) dst(%arg9 : memref<80x128xf32, #tpu.memory_space<vmem>>)
          tpu.yield
        }) : () -> ()
        "tpu.region"() ({
          %run_scoped3A = tpu.sem_alloc : memref<!tpu.dma_semaphore, #tpu.memory_space<semaphore_mem>>
          %dma_start3A = arith.constant 0 : i32
          %dma_start3A_88 = arith.constant 0 : i32
          %dma_start3A_89 = tpu.memref_slice %arg4[%arg1, %dma_start3A, %dma_start3A_88] : memref<16x250x80xi32, #tpu.memory_space<hbm>> -> memref<1x250x80xi32, #tpu.memory_space<hbm>>
          %dma_start3A_90 = tpu.memref_squeeze %dma_start3A_89 : memref<1x250x80xi32, #tpu.memory_space<hbm>> -> memref<250x80xi32, #tpu.memory_space<hbm>>
          %dma_start3A_91 = arith.constant 0 : i32
          %dma_start3A_92 = tpu.memref_slice %dma_start3A_90[%scan3A_82, %dma_start3A_91] : memref<250x80xi32, #tpu.memory_space<hbm>> -> memref<1x80xi32, #tpu.memory_space<hbm>>
          %dma_start3A_93 = tpu.memref_squeeze %dma_start3A_92 : memref<1x80xi32, #tpu.memory_space<hbm>> -> memref<80xi32, #tpu.memory_space<hbm>>
          %dma_start3A_94 = arith.constant 0 : i32
          %dma_start3A_95 = arith.constant 0 : i32
          %dma_start3A_96 = tpu.memref_slice %arg4[%arg1, %dma_start3A_94, %dma_start3A_95] : memref<16x250x80xi32, #tpu.memory_space<hbm>> -> memref<1x250x80xi32, #tpu.memory_space<hbm>>
          %dma_start3A_97 = tpu.memref_squeeze %dma_start3A_96 : memref<1x250x80xi32, #tpu.memory_space<hbm>> -> memref<250x80xi32, #tpu.memory_space<hbm>>
          %dma_start3A_98 = arith.constant 0 : i32
          %dma_start3A_99 = tpu.memref_slice %dma_start3A_97[%scan3A_82, %dma_start3A_98] : memref<250x80xi32, #tpu.memory_space<hbm>> -> memref<1x80xi32, #tpu.memory_space<hbm>>
          %dma_start3A_100 = tpu.memref_squeeze %dma_start3A_99 : memref<1x80xi32, #tpu.memory_space<hbm>> -> memref<80xi32, #tpu.memory_space<hbm>>
          tpu.enqueue_dma source(%dma_start3A_100 : memref<80xi32, #tpu.memory_space<hbm>>) target(%arg8 : memref<80xi32, #tpu.memory_space<vmem>>) target_semaphore(%run_scoped3A : memref<!tpu.dma_semaphore, #tpu.memory_space<semaphore_mem>>)
          %dma_wait3A = arith.constant 0 : i32
          %dma_wait3A_101 = arith.constant 0 : i32
          %dma_wait3A_102 = tpu.memref_slice %arg4[%arg1, %dma_wait3A, %dma_wait3A_101] : memref<16x250x80xi32, #tpu.memory_space<hbm>> -> memref<1x250x80xi32, #tpu.memory_space<hbm>>
          %dma_wait3A_103 = tpu.memref_squeeze %dma_wait3A_102 : memref<1x250x80xi32, #tpu.memory_space<hbm>> -> memref<250x80xi32, #tpu.memory_space<hbm>>
          %dma_wait3A_104 = arith.constant 0 : i32
          %dma_wait3A_105 = tpu.memref_slice %dma_wait3A_103[%scan3A_82, %dma_wait3A_104] : memref<250x80xi32, #tpu.memory_space<hbm>> -> memref<1x80xi32, #tpu.memory_space<hbm>>
          %dma_wait3A_106 = tpu.memref_squeeze %dma_wait3A_105 : memref<1x80xi32, #tpu.memory_space<hbm>> -> memref<80xi32, #tpu.memory_space<hbm>>
          %dma_wait3A_107 = arith.constant 0 : i32
          %dma_wait3A_108 = arith.constant 0 : i32
          %dma_wait3A_109 = tpu.memref_slice %arg4[%arg1, %dma_wait3A_107, %dma_wait3A_108] : memref<16x250x80xi32, #tpu.memory_space<hbm>> -> memref<1x250x80xi32, #tpu.memory_space<hbm>>
          %dma_wait3A_110 = tpu.memref_squeeze %dma_wait3A_109 : memref<1x250x80xi32, #tpu.memory_space<hbm>> -> memref<250x80xi32, #tpu.memory_space<hbm>>
          %dma_wait3A_111 = arith.constant 0 : i32
          %dma_wait3A_112 = tpu.memref_slice %dma_wait3A_110[%scan3A_82, %dma_wait3A_111] : memref<250x80xi32, #tpu.memory_space<hbm>> -> memref<1x80xi32, #tpu.memory_space<hbm>>
          %dma_wait3A_113 = tpu.memref_squeeze %dma_wait3A_112 : memref<1x80xi32, #tpu.memory_space<hbm>> -> memref<80xi32, #tpu.memory_space<hbm>>
          tpu.wait_dma2 semaphore(%run_scoped3A : memref<!tpu.dma_semaphore, #tpu.memory_space<semaphore_mem>>) src(%dma_wait3A_113 : memref<80xi32, #tpu.memory_space<hbm>>) dst(%arg8 : memref<80xi32, #tpu.memory_space<vmem>>)
          tpu.yield
        }) : () -> ()
        "tpu.region"() ({
          %run_scoped3A = tpu.sem_alloc : memref<!tpu.dma_semaphore, #tpu.memory_space<semaphore_mem>>
          %dma_start3A = arith.constant 0 : i32
          %dma_start3A_88 = arith.constant 0 : i32
          %dma_start3A_89 = tpu.memref_slice %arg7[%dma_start3A, %dma_start3A_88] : memref<10000x128xf32, #tpu.memory_space<vmem_shared>> -> memref<10000x128xf32, #tpu.memory_space<vmem_shared>>
          tpu.enqueue_indirect_dma source(%arg9 : memref<80x128xf32, #tpu.memory_space<vmem>>) target(%dma_start3A_89 : memref<10000x128xf32, #tpu.memory_space<vmem_shared>>) offsets(%arg8 : memref<80xi32, #tpu.memory_space<vmem>>) semaphore(%run_scoped3A : memref<!tpu.dma_semaphore, #tpu.memory_space<semaphore_mem>>) {add = true}
          %dma_wait3A = arith.constant 0 : i32
          %dma_wait3A_90 = arith.constant 0 : i32
          %dma_wait3A_91 = tpu.memref_slice %arg7[%dma_wait3A, %dma_wait3A_90] : memref<10000x128xf32, #tpu.memory_space<vmem_shared>> -> memref<10000x128xf32, #tpu.memory_space<vmem_shared>>
          tpu.wait_indirect_dma semaphore(%run_scoped3A : memref<!tpu.dma_semaphore, #tpu.memory_space<semaphore_mem>>) src(%arg9 : memref<80x128xf32, #tpu.memory_space<vmem>>) dst(%dma_wait3A_91 : memref<10000x128xf32, #tpu.memory_space<vmem_shared>>)
          tpu.yield
        }) : () -> ()
      }
      %scan3A_81 = arith.constant 250 : i32
    } else {
    }
    %eq3A_60 = arith.constant 1 : i32
    %eq3A_61 = arith.cmpi eq, %arg0, %eq3A_60 : i32
    %convert_element_type3A_62 = arith.extui %eq3A_61 : i1 to i32
    %cond3A_63 = arith.constant 0 : i32
    %cond3A_64 = arith.cmpi ne, %convert_element_type3A_62, %cond3A_63 : i32
    scf.if %cond3A_64 {
      %scan3A_76 = arith.constant 0 : i32
      %scan3A_77 = arith.constant 0 : i32
      %scan3A_78 = arith.constant 250 : i32
      %scan3A_79 = arith.addi %scan3A_77, %scan3A_78 : i32
      %scan3A_80 = arith.constant 1 : i32
      scf.for %scan3A_82 = %scan3A_77 to %scan3A_79 step %scan3A_80  : i32 {
        %mul3A_83 = arith.constant 250 : i32
        %mul3A_84 = arith.muli %arg1, %mul3A_83 : i32
        %add3A_85 = arith.addi %mul3A_84, %scan3A_82 : i32
        %mul3A_86 = arith.constant 80 : i32
        %mul3A_87 = arith.muli %add3A_85, %mul3A_86 : i32
        "tpu.region"() ({
          %run_scoped3A = tpu.sem_alloc : memref<!tpu.dma_semaphore, #tpu.memory_space<semaphore_mem>>
          %dma_start3A = arith.constant 0 : i32
          %dma_start3A_88 = tpu.memref_slice %arg3[%mul3A_87, %dma_start3A] : memref<320000x128xf32, #tpu.memory_space<hbm>> -> memref<80x128xf32, #tpu.memory_space<hbm>>
          %dma_start3A_89 = arith.constant 0 : i32
          %dma_start3A_90 = tpu.memref_slice %arg3[%mul3A_87, %dma_start3A_89] : memref<320000x128xf32, #tpu.memory_space<hbm>> -> memref<80x128xf32, #tpu.memory_space<hbm>>
          tpu.enqueue_dma source(%dma_start3A_90 : memref<80x128xf32, #tpu.memory_space<hbm>>) target(%arg9 : memref<80x128xf32, #tpu.memory_space<vmem>>) target_semaphore(%run_scoped3A : memref<!tpu.dma_semaphore, #tpu.memory_space<semaphore_mem>>)
          %dma_wait3A = arith.constant 0 : i32
          %dma_wait3A_91 = tpu.memref_slice %arg3[%mul3A_87, %dma_wait3A] : memref<320000x128xf32, #tpu.memory_space<hbm>> -> memref<80x128xf32, #tpu.memory_space<hbm>>
          %dma_wait3A_92 = arith.constant 0 : i32
          %dma_wait3A_93 = tpu.memref_slice %arg3[%mul3A_87, %dma_wait3A_92] : memref<320000x128xf32, #tpu.memory_space<hbm>> -> memref<80x128xf32, #tpu.memory_space<hbm>>
          tpu.wait_dma2 semaphore(%run_scoped3A : memref<!tpu.dma_semaphore, #tpu.memory_space<semaphore_mem>>) src(%dma_wait3A_93 : memref<80x128xf32, #tpu.memory_space<hbm>>) dst(%arg9 : memref<80x128xf32, #tpu.memory_space<vmem>>)
          tpu.yield
        }) : () -> ()
        "tpu.region"() ({
          %run_scoped3A = tpu.sem_alloc : memref<!tpu.dma_semaphore, #tpu.memory_space<semaphore_mem>>
          %dma_start3A = arith.constant 0 : i32
          %dma_start3A_88 = arith.constant 0 : i32
          %dma_start3A_89 = tpu.memref_slice %arg4[%arg1, %dma_start3A, %dma_start3A_88] : memref<16x250x80xi32, #tpu.memory_space<hbm>> -> memref<1x250x80xi32, #tpu.memory_space<hbm>>
          %dma_start3A_90 = tpu.memref_squeeze %dma_start3A_89 : memref<1x250x80xi32, #tpu.memory_space<hbm>> -> memref<250x80xi32, #tpu.memory_space<hbm>>
          %dma_start3A_91 = arith.constant 0 : i32
          %dma_start3A_92 = tpu.memref_slice %dma_start3A_90[%scan3A_82, %dma_start3A_91] : memref<250x80xi32, #tpu.memory_space<hbm>> -> memref<1x80xi32, #tpu.memory_space<hbm>>
          %dma_start3A_93 = tpu.memref_squeeze %dma_start3A_92 : memref<1x80xi32, #tpu.memory_space<hbm>> -> memref<80xi32, #tpu.memory_space<hbm>>
          %dma_start3A_94 = arith.constant 0 : i32
          %dma_start3A_95 = arith.constant 0 : i32
          %dma_start3A_96 = tpu.memref_slice %arg4[%arg1, %dma_start3A_94, %dma_start3A_95] : memref<16x250x80xi32, #tpu.memory_space<hbm>> -> memref<1x250x80xi32, #tpu.memory_space<hbm>>
          %dma_start3A_97 = tpu.memref_squeeze %dma_start3A_96 : memref<1x250x80xi32, #tpu.memory_space<hbm>> -> memref<250x80xi32, #tpu.memory_space<hbm>>
          %dma_start3A_98 = arith.constant 0 : i32
          %dma_start3A_99 = tpu.memref_slice %dma_start3A_97[%scan3A_82, %dma_start3A_98] : memref<250x80xi32, #tpu.memory_space<hbm>> -> memref<1x80xi32, #tpu.memory_space<hbm>>
          %dma_start3A_100 = tpu.memref_squeeze %dma_start3A_99 : memref<1x80xi32, #tpu.memory_space<hbm>> -> memref<80xi32, #tpu.memory_space<hbm>>
          tpu.enqueue_dma source(%dma_start3A_100 : memref<80xi32, #tpu.memory_space<hbm>>) target(%arg8 : memref<80xi32, #tpu.memory_space<vmem>>) target_semaphore(%run_scoped3A : memref<!tpu.dma_semaphore, #tpu.memory_space<semaphore_mem>>)
          %dma_wait3A = arith.constant 0 : i32
          %dma_wait3A_101 = arith.constant 0 : i32
          %dma_wait3A_102 = tpu.memref_slice %arg4[%arg1, %dma_wait3A, %dma_wait3A_101] : memref<16x250x80xi32, #tpu.memory_space<hbm>> -> memref<1x250x80xi32, #tpu.memory_space<hbm>>
          %dma_wait3A_103 = tpu.memref_squeeze %dma_wait3A_102 : memref<1x250x80xi32, #tpu.memory_space<hbm>> -> memref<250x80xi32, #tpu.memory_space<hbm>>
          %dma_wait3A_104 = arith.constant 0 : i32
          %dma_wait3A_105 = tpu.memref_slice %dma_wait3A_103[%scan3A_82, %dma_wait3A_104] : memref<250x80xi32, #tpu.memory_space<hbm>> -> memref<1x80xi32, #tpu.memory_space<hbm>>
          %dma_wait3A_106 = tpu.memref_squeeze %dma_wait3A_105 : memref<1x80xi32, #tpu.memory_space<hbm>> -> memref<80xi32, #tpu.memory_space<hbm>>
          %dma_wait3A_107 = arith.constant 0 : i32
          %dma_wait3A_108 = arith.constant 0 : i32
          %dma_wait3A_109 = tpu.memref_slice %arg4[%arg1, %dma_wait3A_107, %dma_wait3A_108] : memref<16x250x80xi32, #tpu.memory_space<hbm>> -> memref<1x250x80xi32, #tpu.memory_space<hbm>>
          %dma_wait3A_110 = tpu.memref_squeeze %dma_wait3A_109 : memref<1x250x80xi32, #tpu.memory_space<hbm>> -> memref<250x80xi32, #tpu.memory_space<hbm>>
          %dma_wait3A_111 = arith.constant 0 : i32
          %dma_wait3A_112 = tpu.memref_slice %dma_wait3A_110[%scan3A_82, %dma_wait3A_111] : memref<250x80xi32, #tpu.memory_space<hbm>> -> memref<1x80xi32, #tpu.memory_space<hbm>>
          %dma_wait3A_113 = tpu.memref_squeeze %dma_wait3A_112 : memref<1x80xi32, #tpu.memory_space<hbm>> -> memref<80xi32, #tpu.memory_space<hbm>>
          tpu.wait_dma2 semaphore(%run_scoped3A : memref<!tpu.dma_semaphore, #tpu.memory_space<semaphore_mem>>) src(%dma_wait3A_113 : memref<80xi32, #tpu.memory_space<hbm>>) dst(%arg8 : memref<80xi32, #tpu.memory_space<vmem>>)
          tpu.yield
        }) : () -> ()
        "tpu.region"() ({
          %run_scoped3A = tpu.sem_alloc : memref<!tpu.dma_semaphore, #tpu.memory_space<semaphore_mem>>
          %dma_start3A = arith.constant 0 : i32
          %dma_start3A_88 = arith.constant 0 : i32
          %dma_start3A_89 = tpu.memref_slice %arg7[%dma_start3A, %dma_start3A_88] : memref<10000x128xf32, #tpu.memory_space<vmem_shared>> -> memref<10000x128xf32, #tpu.memory_space<vmem_shared>>
          tpu.enqueue_indirect_dma source(%arg9 : memref<80x128xf32, #tpu.memory_space<vmem>>) target(%dma_start3A_89 : memref<10000x128xf32, #tpu.memory_space<vmem_shared>>) offsets(%arg8 : memref<80xi32, #tpu.memory_space<vmem>>) semaphore(%run_scoped3A : memref<!tpu.dma_semaphore, #tpu.memory_space<semaphore_mem>>) {add = true}
          %dma_wait3A = arith.constant 0 : i32
          %dma_wait3A_90 = arith.constant 0 : i32
          %dma_wait3A_91 = tpu.memref_slice %arg7[%dma_wait3A, %dma_wait3A_90] : memref<10000x128xf32, #tpu.memory_space<vmem_shared>> -> memref<10000x128xf32, #tpu.memory_space<vmem_shared>>
          tpu.wait_indirect_dma semaphore(%run_scoped3A : memref<!tpu.dma_semaphore, #tpu.memory_space<semaphore_mem>>) src(%arg9 : memref<80x128xf32, #tpu.memory_space<vmem>>) dst(%dma_wait3A_91 : memref<10000x128xf32, #tpu.memory_space<vmem_shared>>)
          tpu.yield
        }) : () -> ()
      }
      %scan3A_81 = arith.constant 250 : i32
    } else {
    }
    %barrier3A_65 = arith.constant 0 : index
    tpu.barrier barrier_id(%barrier3A_65)
    %eq3A_66 = arith.constant 0 : i32
    %eq3A_67 = arith.cmpi eq, %arg0, %eq3A_66 : i32
    %convert_element_type3A_68 = arith.extui %eq3A_67 : i1 to i32
    %cond3A_69 = arith.constant 0 : i32
    %cond3A_70 = arith.cmpi ne, %convert_element_type3A_68, %cond3A_69 : i32
    scf.if %cond3A_70 {
      %while3A_76 = arith.constant 0 : i32
      %while3A_77 = arith.subi %select_n3A_49, %select_n3A : i32
      %while3A_78 = arith.addi %select_n3A, %while3A_77 : i32
      %while3A_79 = arith.constant 1 : i32
      %while3A_80 = arith.divsi %while3A_77, %while3A_79 : i32
      %while3A_81 = arith.muli %while3A_80, %while3A_79 : i32
      %while3A_82 = arith.addi %select_n3A, %while3A_81 : i32
      %while3A_83 = arith.constant 1 : i32
      scf.for %while3A_85 = %select_n3A to %while3A_82 step %while3A_83  : i32 {
        %iota3A = tpu.iota {dimensions = array<i32: 0>} : vector<16xi32>
        %mul3A_86 = arith.constant 80 : i32
        %mul3A_87 = arith.muli %while3A_85, %mul3A_86 : i32
        %add3A_88 = vector.broadcast %mul3A_87 : i32 to vector<16xi32>
        %add3A_89 = arith.addi %iota3A, %add3A_88 : vector<16xi32>
        %add3A_90 = arith.constant 0 : i32
        %add3A_91 = vector.broadcast %add3A_90 : i32 to vector<16xi32>
        %add3A_92 = arith.addi %add3A_89, %add3A_91 : vector<16xi32>
        %swap3A = arith.constant 0 : index
        %swap3A_93 = tpu.vector_load %arg8[%swap3A] {strides = array<i32>} : memref<80xi32, #tpu.memory_space<vmem>>, vector<16xi32>,
        %swap3A_94 = vector.shape_cast %swap3A_93 : vector<16xi32> to vector<16xi32>
        %swap3A_95 = vector.shape_cast %add3A_92 : vector<16xi32> to vector<16xi32>
        tpu.vector_store %arg8[%swap3A], %swap3A_95 {strides = array<i32>} : memref<80xi32, #tpu.memory_space<vmem>>, vector<16xi32>,
        %iota3A_96 = tpu.iota {dimensions = array<i32: 0>} : vector<16xi32>
        %mul3A_97 = arith.constant 80 : i32
        %mul3A_98 = arith.muli %while3A_85, %mul3A_97 : i32
        %add3A_99 = vector.broadcast %mul3A_98 : i32 to vector<16xi32>
        %add3A_100 = arith.addi %iota3A_96, %add3A_99 : vector<16xi32>
        %add3A_101 = arith.constant 16 : i32
        %add3A_102 = vector.broadcast %add3A_101 : i32 to vector<16xi32>
        %add3A_103 = arith.addi %add3A_100, %add3A_102 : vector<16xi32>
        %swap3A_104 = arith.constant 16 : index
        %swap3A_105 = tpu.vector_load %arg8[%swap3A_104] {strides = array<i32>} : memref<80xi32, #tpu.memory_space<vmem>>, vector<16xi32>,
        %swap3A_106 = vector.shape_cast %swap3A_105 : vector<16xi32> to vector<16xi32>
        %swap3A_107 = vector.shape_cast %add3A_103 : vector<16xi32> to vector<16xi32>
        tpu.vector_store %arg8[%swap3A_104], %swap3A_107 {strides = array<i32>} : memref<80xi32, #tpu.memory_space<vmem>>, vector<16xi32>,
        %iota3A_108 = tpu.iota {dimensions = array<i32: 0>} : vector<16xi32>
        %mul3A_109 = arith.constant 80 : i32
        %mul3A_110 = arith.muli %while3A_85, %mul3A_109 : i32
        %add3A_111 = vector.broadcast %mul3A_110 : i32 to vector<16xi32>
        %add3A_112 = arith.addi %iota3A_108, %add3A_111 : vector<16xi32>
        %add3A_113 = arith.constant 32 : i32
        %add3A_114 = vector.broadcast %add3A_113 : i32 to vector<16xi32>
        %add3A_115 = arith.addi %add3A_112, %add3A_114 : vector<16xi32>
        %swap3A_116 = arith.constant 32 : index
        %swap3A_117 = tpu.vector_load %arg8[%swap3A_116] {strides = array<i32>} : memref<80xi32, #tpu.memory_space<vmem>>, vector<16xi32>,
        %swap3A_118 = vector.shape_cast %swap3A_117 : vector<16xi32> to vector<16xi32>
        %swap3A_119 = vector.shape_cast %add3A_115 : vector<16xi32> to vector<16xi32>
        tpu.vector_store %arg8[%swap3A_116], %swap3A_119 {strides = array<i32>} : memref<80xi32, #tpu.memory_space<vmem>>, vector<16xi32>,
        %iota3A_120 = tpu.iota {dimensions = array<i32: 0>} : vector<16xi32>
        %mul3A_121 = arith.constant 80 : i32
        %mul3A_122 = arith.muli %while3A_85, %mul3A_121 : i32
        %add3A_123 = vector.broadcast %mul3A_122 : i32 to vector<16xi32>
        %add3A_124 = arith.addi %iota3A_120, %add3A_123 : vector<16xi32>
        %add3A_125 = arith.constant 48 : i32
        %add3A_126 = vector.broadcast %add3A_125 : i32 to vector<16xi32>
        %add3A_127 = arith.addi %add3A_124, %add3A_126 : vector<16xi32>
        %swap3A_128 = arith.constant 48 : index
        %swap3A_129 = tpu.vector_load %arg8[%swap3A_128] {strides = array<i32>} : memref<80xi32, #tpu.memory_space<vmem>>, vector<16xi32>,
        %swap3A_130 = vector.shape_cast %swap3A_129 : vector<16xi32> to vector<16xi32>
        %swap3A_131 = vector.shape_cast %add3A_127 : vector<16xi32> to vector<16xi32>
        tpu.vector_store %arg8[%swap3A_128], %swap3A_131 {strides = array<i32>} : memref<80xi32, #tpu.memory_space<vmem>>, vector<16xi32>,
        %iota3A_132 = tpu.iota {dimensions = array<i32: 0>} : vector<16xi32>
        %mul3A_133 = arith.constant 80 : i32
        %mul3A_134 = arith.muli %while3A_85, %mul3A_133 : i32
        %add3A_135 = vector.broadcast %mul3A_134 : i32 to vector<16xi32>
        %add3A_136 = arith.addi %iota3A_132, %add3A_135 : vector<16xi32>
        %add3A_137 = arith.constant 64 : i32
        %add3A_138 = vector.broadcast %add3A_137 : i32 to vector<16xi32>
        %add3A_139 = arith.addi %add3A_136, %add3A_138 : vector<16xi32>
        %swap3A_140 = arith.constant 64 : index
        %swap3A_141 = tpu.vector_load %arg8[%swap3A_140] {strides = array<i32>} : memref<80xi32, #tpu.memory_space<vmem>>, vector<16xi32>,
        %swap3A_142 = vector.shape_cast %swap3A_141 : vector<16xi32> to vector<16xi32>
        %swap3A_143 = vector.shape_cast %add3A_139 : vector<16xi32> to vector<16xi32>
        tpu.vector_store %arg8[%swap3A_140], %swap3A_143 {strides = array<i32>} : memref<80xi32, #tpu.memory_space<vmem>>, vector<16xi32>,
        "tpu.region"() ({
          %run_scoped3A = tpu.sem_alloc : memref<!tpu.dma_semaphore, #tpu.memory_space<semaphore_mem>>
          %dma_start3A = arith.constant 0 : i32
          %dma_start3A_146 = arith.constant 0 : i32
          %dma_start3A_147 = tpu.memref_slice %arg7[%dma_start3A, %dma_start3A_146] : memref<10000x128xf32, #tpu.memory_space<vmem_shared>> -> memref<10000x128xf32, #tpu.memory_space<vmem_shared>>
          tpu.enqueue_indirect_dma source(%dma_start3A_147 : memref<10000x128xf32, #tpu.memory_space<vmem_shared>>) target(%arg9 : memref<80x128xf32, #tpu.memory_space<vmem>>) offsets(%arg8 : memref<80xi32, #tpu.memory_space<vmem>>) semaphore(%run_scoped3A : memref<!tpu.dma_semaphore, #tpu.memory_space<semaphore_mem>>)
          %dma_wait3A = arith.constant 0 : i32
          %dma_wait3A_148 = arith.constant 0 : i32
          %dma_wait3A_149 = tpu.memref_slice %arg7[%dma_wait3A, %dma_wait3A_148] : memref<10000x128xf32, #tpu.memory_space<vmem_shared>> -> memref<10000x128xf32, #tpu.memory_space<vmem_shared>>
          tpu.wait_indirect_dma semaphore(%run_scoped3A : memref<!tpu.dma_semaphore, #tpu.memory_space<semaphore_mem>>) src(%dma_wait3A_149 : memref<10000x128xf32, #tpu.memory_space<vmem_shared>>) dst(%arg9 : memref<80x128xf32, #tpu.memory_space<vmem>>)
          tpu.yield
        }) : () -> ()
        %mul3A_144 = arith.constant 80 : i32
        %mul3A_145 = arith.muli %while3A_85, %mul3A_144 : i32
        "tpu.region"() ({
          %run_scoped3A = tpu.sem_alloc : memref<!tpu.dma_semaphore, #tpu.memory_space<semaphore_mem>>
          %dma_start3A = arith.constant 0 : i32
          %dma_start3A_146 = tpu.memref_slice %arg5[%mul3A_145, %dma_start3A] : memref<10000x128xf32, #tpu.memory_space<hbm>> -> memref<80x128xf32, #tpu.memory_space<hbm>>
          %dma_start3A_147 = arith.constant 0 : i32
          %dma_start3A_148 = tpu.memref_slice %arg5[%mul3A_145, %dma_start3A_147] : memref<10000x128xf32, #tpu.memory_space<hbm>> -> memref<80x128xf32, #tpu.memory_space<hbm>>
          tpu.enqueue_dma source(%arg9 : memref<80x128xf32, #tpu.memory_space<vmem>>) target(%dma_start3A_148 : memref<80x128xf32, #tpu.memory_space<hbm>>) target_semaphore(%run_scoped3A : memref<!tpu.dma_semaphore, #tpu.memory_space<semaphore_mem>>)
          %dma_wait3A = arith.constant 0 : i32
          %dma_wait3A_149 = tpu.memref_slice %arg5[%mul3A_145, %dma_wait3A] : memref<10000x128xf32, #tpu.memory_space<hbm>> -> memref<80x128xf32, #tpu.memory_space<hbm>>
          %dma_wait3A_150 = arith.constant 0 : i32
          %dma_wait3A_151 = tpu.memref_slice %arg5[%mul3A_145, %dma_wait3A_150] : memref<10000x128xf32, #tpu.memory_space<hbm>> -> memref<80x128xf32, #tpu.memory_space<hbm>>
          tpu.wait_dma2 semaphore(%run_scoped3A : memref<!tpu.dma_semaphore, #tpu.memory_space<semaphore_mem>>) src(%arg9 : memref<80x128xf32, #tpu.memory_space<vmem>>) dst(%dma_wait3A_151 : memref<80x128xf32, #tpu.memory_space<hbm>>)
          tpu.yield
        }) : () -> ()
      }
      %while3A_84 = arith.constant 1 : i32
      scf.for %while3A_85 = %while3A_82 to %while3A_78 step %while3A_84  : i32 {
        %iota3A = tpu.iota {dimensions = array<i32: 0>} : vector<16xi32>
        %mul3A_86 = arith.constant 80 : i32
        %mul3A_87 = arith.muli %while3A_85, %mul3A_86 : i32
        %add3A_88 = vector.broadcast %mul3A_87 : i32 to vector<16xi32>
        %add3A_89 = arith.addi %iota3A, %add3A_88 : vector<16xi32>
        %add3A_90 = arith.constant 0 : i32
        %add3A_91 = vector.broadcast %add3A_90 : i32 to vector<16xi32>
        %add3A_92 = arith.addi %add3A_89, %add3A_91 : vector<16xi32>
        %swap3A = arith.constant 0 : index
        %swap3A_93 = tpu.vector_load %arg8[%swap3A] {strides = array<i32>} : memref<80xi32, #tpu.memory_space<vmem>>, vector<16xi32>,
        %swap3A_94 = vector.shape_cast %swap3A_93 : vector<16xi32> to vector<16xi32>
        %swap3A_95 = vector.shape_cast %add3A_92 : vector<16xi32> to vector<16xi32>
        tpu.vector_store %arg8[%swap3A], %swap3A_95 {strides = array<i32>} : memref<80xi32, #tpu.memory_space<vmem>>, vector<16xi32>,
        %iota3A_96 = tpu.iota {dimensions = array<i32: 0>} : vector<16xi32>
        %mul3A_97 = arith.constant 80 : i32
        %mul3A_98 = arith.muli %while3A_85, %mul3A_97 : i32
        %add3A_99 = vector.broadcast %mul3A_98 : i32 to vector<16xi32>
        %add3A_100 = arith.addi %iota3A_96, %add3A_99 : vector<16xi32>
        %add3A_101 = arith.constant 16 : i32
        %add3A_102 = vector.broadcast %add3A_101 : i32 to vector<16xi32>
        %add3A_103 = arith.addi %add3A_100, %add3A_102 : vector<16xi32>
        %swap3A_104 = arith.constant 16 : index
        %swap3A_105 = tpu.vector_load %arg8[%swap3A_104] {strides = array<i32>} : memref<80xi32, #tpu.memory_space<vmem>>, vector<16xi32>,
        %swap3A_106 = vector.shape_cast %swap3A_105 : vector<16xi32> to vector<16xi32>
        %swap3A_107 = vector.shape_cast %add3A_103 : vector<16xi32> to vector<16xi32>
        tpu.vector_store %arg8[%swap3A_104], %swap3A_107 {strides = array<i32>} : memref<80xi32, #tpu.memory_space<vmem>>, vector<16xi32>,
        %iota3A_108 = tpu.iota {dimensions = array<i32: 0>} : vector<16xi32>
        %mul3A_109 = arith.constant 80 : i32
        %mul3A_110 = arith.muli %while3A_85, %mul3A_109 : i32
        %add3A_111 = vector.broadcast %mul3A_110 : i32 to vector<16xi32>
        %add3A_112 = arith.addi %iota3A_108, %add3A_111 : vector<16xi32>
        %add3A_113 = arith.constant 32 : i32
        %add3A_114 = vector.broadcast %add3A_113 : i32 to vector<16xi32>
        %add3A_115 = arith.addi %add3A_112, %add3A_114 : vector<16xi32>
        %swap3A_116 = arith.constant 32 : index
        %swap3A_117 = tpu.vector_load %arg8[%swap3A_116] {strides = array<i32>} : memref<80xi32, #tpu.memory_space<vmem>>, vector<16xi32>,
        %swap3A_118 = vector.shape_cast %swap3A_117 : vector<16xi32> to vector<16xi32>
        %swap3A_119 = vector.shape_cast %add3A_115 : vector<16xi32> to vector<16xi32>
        tpu.vector_store %arg8[%swap3A_116], %swap3A_119 {strides = array<i32>} : memref<80xi32, #tpu.memory_space<vmem>>, vector<16xi32>,
        %iota3A_120 = tpu.iota {dimensions = array<i32: 0>} : vector<16xi32>
        %mul3A_121 = arith.constant 80 : i32
        %mul3A_122 = arith.muli %while3A_85, %mul3A_121 : i32
        %add3A_123 = vector.broadcast %mul3A_122 : i32 to vector<16xi32>
        %add3A_124 = arith.addi %iota3A_120, %add3A_123 : vector<16xi32>
        %add3A_125 = arith.constant 48 : i32
        %add3A_126 = vector.broadcast %add3A_125 : i32 to vector<16xi32>
        %add3A_127 = arith.addi %add3A_124, %add3A_126 : vector<16xi32>
        %swap3A_128 = arith.constant 48 : index
        %swap3A_129 = tpu.vector_load %arg8[%swap3A_128] {strides = array<i32>} : memref<80xi32, #tpu.memory_space<vmem>>, vector<16xi32>,
        %swap3A_130 = vector.shape_cast %swap3A_129 : vector<16xi32> to vector<16xi32>
        %swap3A_131 = vector.shape_cast %add3A_127 : vector<16xi32> to vector<16xi32>
        tpu.vector_store %arg8[%swap3A_128], %swap3A_131 {strides = array<i32>} : memref<80xi32, #tpu.memory_space<vmem>>, vector<16xi32>,
        %iota3A_132 = tpu.iota {dimensions = array<i32: 0>} : vector<16xi32>
        %mul3A_133 = arith.constant 80 : i32
        %mul3A_134 = arith.muli %while3A_85, %mul3A_133 : i32
        %add3A_135 = vector.broadcast %mul3A_134 : i32 to vector<16xi32>
        %add3A_136 = arith.addi %iota3A_132, %add3A_135 : vector<16xi32>
        %add3A_137 = arith.constant 64 : i32
        %add3A_138 = vector.broadcast %add3A_137 : i32 to vector<16xi32>
        %add3A_139 = arith.addi %add3A_136, %add3A_138 : vector<16xi32>
        %swap3A_140 = arith.constant 64 : index
        %swap3A_141 = tpu.vector_load %arg8[%swap3A_140] {strides = array<i32>} : memref<80xi32, #tpu.memory_space<vmem>>, vector<16xi32>,
        %swap3A_142 = vector.shape_cast %swap3A_141 : vector<16xi32> to vector<16xi32>
        %swap3A_143 = vector.shape_cast %add3A_139 : vector<16xi32> to vector<16xi32>
        tpu.vector_store %arg8[%swap3A_140], %swap3A_143 {strides = array<i32>} : memref<80xi32, #tpu.memory_space<vmem>>, vector<16xi32>,
        "tpu.region"() ({
          %run_scoped3A = tpu.sem_alloc : memref<!tpu.dma_semaphore, #tpu.memory_space<semaphore_mem>>
          %dma_start3A = arith.constant 0 : i32
          %dma_start3A_146 = arith.constant 0 : i32
          %dma_start3A_147 = tpu.memref_slice %arg7[%dma_start3A, %dma_start3A_146] : memref<10000x128xf32, #tpu.memory_space<vmem_shared>> -> memref<10000x128xf32, #tpu.memory_space<vmem_shared>>
          tpu.enqueue_indirect_dma source(%dma_start3A_147 : memref<10000x128xf32, #tpu.memory_space<vmem_shared>>) target(%arg9 : memref<80x128xf32, #tpu.memory_space<vmem>>) offsets(%arg8 : memref<80xi32, #tpu.memory_space<vmem>>) semaphore(%run_scoped3A : memref<!tpu.dma_semaphore, #tpu.memory_space<semaphore_mem>>)
          %dma_wait3A = arith.constant 0 : i32
          %dma_wait3A_148 = arith.constant 0 : i32
          %dma_wait3A_149 = tpu.memref_slice %arg7[%dma_wait3A, %dma_wait3A_148] : memref<10000x128xf32, #tpu.memory_space<vmem_shared>> -> memref<10000x128xf32, #tpu.memory_space<vmem_shared>>
          tpu.wait_indirect_dma semaphore(%run_scoped3A : memref<!tpu.dma_semaphore, #tpu.memory_space<semaphore_mem>>) src(%dma_wait3A_149 : memref<10000x128xf32, #tpu.memory_space<vmem_shared>>) dst(%arg9 : memref<80x128xf32, #tpu.memory_space<vmem>>)
          tpu.yield
        }) : () -> ()
        %mul3A_144 = arith.constant 80 : i32
        %mul3A_145 = arith.muli %while3A_85, %mul3A_144 : i32
        "tpu.region"() ({
          %run_scoped3A = tpu.sem_alloc : memref<!tpu.dma_semaphore, #tpu.memory_space<semaphore_mem>>
          %dma_start3A = arith.constant 0 : i32
          %dma_start3A_146 = tpu.memref_slice %arg5[%mul3A_145, %dma_start3A] : memref<10000x128xf32, #tpu.memory_space<hbm>> -> memref<80x128xf32, #tpu.memory_space<hbm>>
          %dma_start3A_147 = arith.constant 0 : i32
          %dma_start3A_148 = tpu.memref_slice %arg5[%mul3A_145, %dma_start3A_147] : memref<10000x128xf32, #tpu.memory_space<hbm>> -> memref<80x128xf32, #tpu.memory_space<hbm>>
          tpu.enqueue_dma source(%arg9 : memref<80x128xf32, #tpu.memory_space<vmem>>) target(%dma_start3A_148 : memref<80x128xf32, #tpu.memory_space<hbm>>) target_semaphore(%run_scoped3A : memref<!tpu.dma_semaphore, #tpu.memory_space<semaphore_mem>>)
          %dma_wait3A = arith.constant 0 : i32
          %dma_wait3A_149 = tpu.memref_slice %arg5[%mul3A_145, %dma_wait3A] : memref<10000x128xf32, #tpu.memory_space<hbm>> -> memref<80x128xf32, #tpu.memory_space<hbm>>
          %dma_wait3A_150 = arith.constant 0 : i32
          %dma_wait3A_151 = tpu.memref_slice %arg5[%mul3A_145, %dma_wait3A_150] : memref<10000x128xf32, #tpu.memory_space<hbm>> -> memref<80x128xf32, #tpu.memory_space<hbm>>
          tpu.wait_dma2 semaphore(%run_scoped3A : memref<!tpu.dma_semaphore, #tpu.memory_space<semaphore_mem>>) src(%arg9 : memref<80x128xf32, #tpu.memory_space<vmem>>) dst(%dma_wait3A_151 : memref<80x128xf32, #tpu.memory_space<hbm>>)
          tpu.yield
        }) : () -> ()
      }
    } else {
    }
    %eq3A_71 = arith.constant 1 : i32
    %eq3A_72 = arith.cmpi eq, %arg0, %eq3A_71 : i32
    %convert_element_type3A_73 = arith.extui %eq3A_72 : i1 to i32
    %cond3A_74 = arith.constant 0 : i32
    %cond3A_75 = arith.cmpi ne, %convert_element_type3A_73, %cond3A_74 : i32
    scf.if %cond3A_75 {
      %while3A_76 = arith.constant 0 : i32
      %while3A_77 = arith.subi %select_n3A_49, %select_n3A : i32
      %while3A_78 = arith.addi %select_n3A, %while3A_77 : i32
      %while3A_79 = arith.constant 1 : i32
      %while3A_80 = arith.divsi %while3A_77, %while3A_79 : i32
      %while3A_81 = arith.muli %while3A_80, %while3A_79 : i32
      %while3A_82 = arith.addi %select_n3A, %while3A_81 : i32
      %while3A_83 = arith.constant 1 : i32
      scf.for %while3A_85 = %select_n3A to %while3A_82 step %while3A_83  : i32 {
        %iota3A = tpu.iota {dimensions = array<i32: 0>} : vector<16xi32>
        %mul3A_86 = arith.constant 80 : i32
        %mul3A_87 = arith.muli %while3A_85, %mul3A_86 : i32
        %add3A_88 = vector.broadcast %mul3A_87 : i32 to vector<16xi32>
        %add3A_89 = arith.addi %iota3A, %add3A_88 : vector<16xi32>
        %add3A_90 = arith.constant 0 : i32
        %add3A_91 = vector.broadcast %add3A_90 : i32 to vector<16xi32>
        %add3A_92 = arith.addi %add3A_89, %add3A_91 : vector<16xi32>
        %swap3A = arith.constant 0 : index
        %swap3A_93 = tpu.vector_load %arg8[%swap3A] {strides = array<i32>} : memref<80xi32, #tpu.memory_space<vmem>>, vector<16xi32>,
        %swap3A_94 = vector.shape_cast %swap3A_93 : vector<16xi32> to vector<16xi32>
        %swap3A_95 = vector.shape_cast %add3A_92 : vector<16xi32> to vector<16xi32>
        tpu.vector_store %arg8[%swap3A], %swap3A_95 {strides = array<i32>} : memref<80xi32, #tpu.memory_space<vmem>>, vector<16xi32>,
        %iota3A_96 = tpu.iota {dimensions = array<i32: 0>} : vector<16xi32>
        %mul3A_97 = arith.constant 80 : i32
        %mul3A_98 = arith.muli %while3A_85, %mul3A_97 : i32
        %add3A_99 = vector.broadcast %mul3A_98 : i32 to vector<16xi32>
        %add3A_100 = arith.addi %iota3A_96, %add3A_99 : vector<16xi32>
        %add3A_101 = arith.constant 16 : i32
        %add3A_102 = vector.broadcast %add3A_101 : i32 to vector<16xi32>
        %add3A_103 = arith.addi %add3A_100, %add3A_102 : vector<16xi32>
        %swap3A_104 = arith.constant 16 : index
        %swap3A_105 = tpu.vector_load %arg8[%swap3A_104] {strides = array<i32>} : memref<80xi32, #tpu.memory_space<vmem>>, vector<16xi32>,
        %swap3A_106 = vector.shape_cast %swap3A_105 : vector<16xi32> to vector<16xi32>
        %swap3A_107 = vector.shape_cast %add3A_103 : vector<16xi32> to vector<16xi32>
        tpu.vector_store %arg8[%swap3A_104], %swap3A_107 {strides = array<i32>} : memref<80xi32, #tpu.memory_space<vmem>>, vector<16xi32>,
        %iota3A_108 = tpu.iota {dimensions = array<i32: 0>} : vector<16xi32>
        %mul3A_109 = arith.constant 80 : i32
        %mul3A_110 = arith.muli %while3A_85, %mul3A_109 : i32
        %add3A_111 = vector.broadcast %mul3A_110 : i32 to vector<16xi32>
        %add3A_112 = arith.addi %iota3A_108, %add3A_111 : vector<16xi32>
        %add3A_113 = arith.constant 32 : i32
        %add3A_114 = vector.broadcast %add3A_113 : i32 to vector<16xi32>
        %add3A_115 = arith.addi %add3A_112, %add3A_114 : vector<16xi32>
        %swap3A_116 = arith.constant 32 : index
        %swap3A_117 = tpu.vector_load %arg8[%swap3A_116] {strides = array<i32>} : memref<80xi32, #tpu.memory_space<vmem>>, vector<16xi32>,
        %swap3A_118 = vector.shape_cast %swap3A_117 : vector<16xi32> to vector<16xi32>
        %swap3A_119 = vector.shape_cast %add3A_115 : vector<16xi32> to vector<16xi32>
        tpu.vector_store %arg8[%swap3A_116], %swap3A_119 {strides = array<i32>} : memref<80xi32, #tpu.memory_space<vmem>>, vector<16xi32>,
        %iota3A_120 = tpu.iota {dimensions = array<i32: 0>} : vector<16xi32>
        %mul3A_121 = arith.constant 80 : i32
        %mul3A_122 = arith.muli %while3A_85, %mul3A_121 : i32
        %add3A_123 = vector.broadcast %mul3A_122 : i32 to vector<16xi32>
        %add3A_124 = arith.addi %iota3A_120, %add3A_123 : vector<16xi32>
        %add3A_125 = arith.constant 48 : i32
        %add3A_126 = vector.broadcast %add3A_125 : i32 to vector<16xi32>
        %add3A_127 = arith.addi %add3A_124, %add3A_126 : vector<16xi32>
        %swap3A_128 = arith.constant 48 : index
        %swap3A_129 = tpu.vector_load %arg8[%swap3A_128] {strides = array<i32>} : memref<80xi32, #tpu.memory_space<vmem>>, vector<16xi32>,
        %swap3A_130 = vector.shape_cast %swap3A_129 : vector<16xi32> to vector<16xi32>
        %swap3A_131 = vector.shape_cast %add3A_127 : vector<16xi32> to vector<16xi32>
        tpu.vector_store %arg8[%swap3A_128], %swap3A_131 {strides = array<i32>} : memref<80xi32, #tpu.memory_space<vmem>>, vector<16xi32>,
        %iota3A_132 = tpu.iota {dimensions = array<i32: 0>} : vector<16xi32>
        %mul3A_133 = arith.constant 80 : i32
        %mul3A_134 = arith.muli %while3A_85, %mul3A_133 : i32
        %add3A_135 = vector.broadcast %mul3A_134 : i32 to vector<16xi32>
        %add3A_136 = arith.addi %iota3A_132, %add3A_135 : vector<16xi32>
        %add3A_137 = arith.constant 64 : i32
        %add3A_138 = vector.broadcast %add3A_137 : i32 to vector<16xi32>
        %add3A_139 = arith.addi %add3A_136, %add3A_138 : vector<16xi32>
        %swap3A_140 = arith.constant 64 : index
        %swap3A_141 = tpu.vector_load %arg8[%swap3A_140] {strides = array<i32>} : memref<80xi32, #tpu.memory_space<vmem>>, vector<16xi32>,
        %swap3A_142 = vector.shape_cast %swap3A_141 : vector<16xi32> to vector<16xi32>
        %swap3A_143 = vector.shape_cast %add3A_139 : vector<16xi32> to vector<16xi32>
        tpu.vector_store %arg8[%swap3A_140], %swap3A_143 {strides = array<i32>} : memref<80xi32, #tpu.memory_space<vmem>>, vector<16xi32>,
        "tpu.region"() ({
          %run_scoped3A = tpu.sem_alloc : memref<!tpu.dma_semaphore, #tpu.memory_space<semaphore_mem>>
          %dma_start3A = arith.constant 0 : i32
          %dma_start3A_146 = arith.constant 0 : i32
          %dma_start3A_147 = tpu.memref_slice %arg7[%dma_start3A, %dma_start3A_146] : memref<10000x128xf32, #tpu.memory_space<vmem_shared>> -> memref<10000x128xf32, #tpu.memory_space<vmem_shared>>
          tpu.enqueue_indirect_dma source(%dma_start3A_147 : memref<10000x128xf32, #tpu.memory_space<vmem_shared>>) target(%arg9 : memref<80x128xf32, #tpu.memory_space<vmem>>) offsets(%arg8 : memref<80xi32, #tpu.memory_space<vmem>>) semaphore(%run_scoped3A : memref<!tpu.dma_semaphore, #tpu.memory_space<semaphore_mem>>)
          %dma_wait3A = arith.constant 0 : i32
          %dma_wait3A_148 = arith.constant 0 : i32
          %dma_wait3A_149 = tpu.memref_slice %arg7[%dma_wait3A, %dma_wait3A_148] : memref<10000x128xf32, #tpu.memory_space<vmem_shared>> -> memref<10000x128xf32, #tpu.memory_space<vmem_shared>>
          tpu.wait_indirect_dma semaphore(%run_scoped3A : memref<!tpu.dma_semaphore, #tpu.memory_space<semaphore_mem>>) src(%dma_wait3A_149 : memref<10000x128xf32, #tpu.memory_space<vmem_shared>>) dst(%arg9 : memref<80x128xf32, #tpu.memory_space<vmem>>)
          tpu.yield
        }) : () -> ()
        %mul3A_144 = arith.constant 80 : i32
        %mul3A_145 = arith.muli %while3A_85, %mul3A_144 : i32
        "tpu.region"() ({
          %run_scoped3A = tpu.sem_alloc : memref<!tpu.dma_semaphore, #tpu.memory_space<semaphore_mem>>
          %dma_start3A = arith.constant 0 : i32
          %dma_start3A_146 = tpu.memref_slice %arg6[%mul3A_145, %dma_start3A] : memref<10000x128xf32, #tpu.memory_space<hbm>> -> memref<80x128xf32, #tpu.memory_space<hbm>>
          %dma_start3A_147 = arith.constant 0 : i32
          %dma_start3A_148 = tpu.memref_slice %arg6[%mul3A_145, %dma_start3A_147] : memref<10000x128xf32, #tpu.memory_space<hbm>> -> memref<80x128xf32, #tpu.memory_space<hbm>>
          tpu.enqueue_dma source(%arg9 : memref<80x128xf32, #tpu.memory_space<vmem>>) target(%dma_start3A_148 : memref<80x128xf32, #tpu.memory_space<hbm>>) target_semaphore(%run_scoped3A : memref<!tpu.dma_semaphore, #tpu.memory_space<semaphore_mem>>)
          %dma_wait3A = arith.constant 0 : i32
          %dma_wait3A_149 = tpu.memref_slice %arg6[%mul3A_145, %dma_wait3A] : memref<10000x128xf32, #tpu.memory_space<hbm>> -> memref<80x128xf32, #tpu.memory_space<hbm>>
          %dma_wait3A_150 = arith.constant 0 : i32
          %dma_wait3A_151 = tpu.memref_slice %arg6[%mul3A_145, %dma_wait3A_150] : memref<10000x128xf32, #tpu.memory_space<hbm>> -> memref<80x128xf32, #tpu.memory_space<hbm>>
          tpu.wait_dma2 semaphore(%run_scoped3A : memref<!tpu.dma_semaphore, #tpu.memory_space<semaphore_mem>>) src(%arg9 : memref<80x128xf32, #tpu.memory_space<vmem>>) dst(%dma_wait3A_151 : memref<80x128xf32, #tpu.memory_space<hbm>>)
          tpu.yield
        }) : () -> ()
      }
      %while3A_84 = arith.constant 1 : i32
      scf.for %while3A_85 = %while3A_82 to %while3A_78 step %while3A_84  : i32 {
        %iota3A = tpu.iota {dimensions = array<i32: 0>} : vector<16xi32>
        %mul3A_86 = arith.constant 80 : i32
        %mul3A_87 = arith.muli %while3A_85, %mul3A_86 : i32
        %add3A_88 = vector.broadcast %mul3A_87 : i32 to vector<16xi32>
        %add3A_89 = arith.addi %iota3A, %add3A_88 : vector<16xi32>
        %add3A_90 = arith.constant 0 : i32
        %add3A_91 = vector.broadcast %add3A_90 : i32 to vector<16xi32>
        %add3A_92 = arith.addi %add3A_89, %add3A_91 : vector<16xi32>
        %swap3A = arith.constant 0 : index
        %swap3A_93 = tpu.vector_load %arg8[%swap3A] {strides = array<i32>} : memref<80xi32, #tpu.memory_space<vmem>>, vector<16xi32>,
        %swap3A_94 = vector.shape_cast %swap3A_93 : vector<16xi32> to vector<16xi32>
        %swap3A_95 = vector.shape_cast %add3A_92 : vector<16xi32> to vector<16xi32>
        tpu.vector_store %arg8[%swap3A], %swap3A_95 {strides = array<i32>} : memref<80xi32, #tpu.memory_space<vmem>>, vector<16xi32>,
        %iota3A_96 = tpu.iota {dimensions = array<i32: 0>} : vector<16xi32>
        %mul3A_97 = arith.constant 80 : i32
        %mul3A_98 = arith.muli %while3A_85, %mul3A_97 : i32
        %add3A_99 = vector.broadcast %mul3A_98 : i32 to vector<16xi32>
        %add3A_100 = arith.addi %iota3A_96, %add3A_99 : vector<16xi32>
        %add3A_101 = arith.constant 16 : i32
        %add3A_102 = vector.broadcast %add3A_101 : i32 to vector<16xi32>
        %add3A_103 = arith.addi %add3A_100, %add3A_102 : vector<16xi32>
        %swap3A_104 = arith.constant 16 : index
        %swap3A_105 = tpu.vector_load %arg8[%swap3A_104] {strides = array<i32>} : memref<80xi32, #tpu.memory_space<vmem>>, vector<16xi32>,
        %swap3A_106 = vector.shape_cast %swap3A_105 : vector<16xi32> to vector<16xi32>
        %swap3A_107 = vector.shape_cast %add3A_103 : vector<16xi32> to vector<16xi32>
        tpu.vector_store %arg8[%swap3A_104], %swap3A_107 {strides = array<i32>} : memref<80xi32, #tpu.memory_space<vmem>>, vector<16xi32>,
        %iota3A_108 = tpu.iota {dimensions = array<i32: 0>} : vector<16xi32>
        %mul3A_109 = arith.constant 80 : i32
        %mul3A_110 = arith.muli %while3A_85, %mul3A_109 : i32
        %add3A_111 = vector.broadcast %mul3A_110 : i32 to vector<16xi32>
        %add3A_112 = arith.addi %iota3A_108, %add3A_111 : vector<16xi32>
        %add3A_113 = arith.constant 32 : i32
        %add3A_114 = vector.broadcast %add3A_113 : i32 to vector<16xi32>
        %add3A_115 = arith.addi %add3A_112, %add3A_114 : vector<16xi32>
        %swap3A_116 = arith.constant 32 : index
        %swap3A_117 = tpu.vector_load %arg8[%swap3A_116] {strides = array<i32>} : memref<80xi32, #tpu.memory_space<vmem>>, vector<16xi32>,
        %swap3A_118 = vector.shape_cast %swap3A_117 : vector<16xi32> to vector<16xi32>
        %swap3A_119 = vector.shape_cast %add3A_115 : vector<16xi32> to vector<16xi32>
        tpu.vector_store %arg8[%swap3A_116], %swap3A_119 {strides = array<i32>} : memref<80xi32, #tpu.memory_space<vmem>>, vector<16xi32>,
        %iota3A_120 = tpu.iota {dimensions = array<i32: 0>} : vector<16xi32>
        %mul3A_121 = arith.constant 80 : i32
        %mul3A_122 = arith.muli %while3A_85, %mul3A_121 : i32
        %add3A_123 = vector.broadcast %mul3A_122 : i32 to vector<16xi32>
        %add3A_124 = arith.addi %iota3A_120, %add3A_123 : vector<16xi32>
        %add3A_125 = arith.constant 48 : i32
        %add3A_126 = vector.broadcast %add3A_125 : i32 to vector<16xi32>
        %add3A_127 = arith.addi %add3A_124, %add3A_126 : vector<16xi32>
        %swap3A_128 = arith.constant 48 : index
        %swap3A_129 = tpu.vector_load %arg8[%swap3A_128] {strides = array<i32>} : memref<80xi32, #tpu.memory_space<vmem>>, vector<16xi32>,
        %swap3A_130 = vector.shape_cast %swap3A_129 : vector<16xi32> to vector<16xi32>
        %swap3A_131 = vector.shape_cast %add3A_127 : vector<16xi32> to vector<16xi32>
        tpu.vector_store %arg8[%swap3A_128], %swap3A_131 {strides = array<i32>} : memref<80xi32, #tpu.memory_space<vmem>>, vector<16xi32>,
        %iota3A_132 = tpu.iota {dimensions = array<i32: 0>} : vector<16xi32>
        %mul3A_133 = arith.constant 80 : i32
        %mul3A_134 = arith.muli %while3A_85, %mul3A_133 : i32
        %add3A_135 = vector.broadcast %mul3A_134 : i32 to vector<16xi32>
        %add3A_136 = arith.addi %iota3A_132, %add3A_135 : vector<16xi32>
        %add3A_137 = arith.constant 64 : i32
        %add3A_138 = vector.broadcast %add3A_137 : i32 to vector<16xi32>
        %add3A_139 = arith.addi %add3A_136, %add3A_138 : vector<16xi32>
        %swap3A_140 = arith.constant 64 : index
        %swap3A_141 = tpu.vector_load %arg8[%swap3A_140] {strides = array<i32>} : memref<80xi32, #tpu.memory_space<vmem>>, vector<16xi32>,
        %swap3A_142 = vector.shape_cast %swap3A_141 : vector<16xi32> to vector<16xi32>
        %swap3A_143 = vector.shape_cast %add3A_139 : vector<16xi32> to vector<16xi32>
        tpu.vector_store %arg8[%swap3A_140], %swap3A_143 {strides = array<i32>} : memref<80xi32, #tpu.memory_space<vmem>>, vector<16xi32>,
        "tpu.region"() ({
          %run_scoped3A = tpu.sem_alloc : memref<!tpu.dma_semaphore, #tpu.memory_space<semaphore_mem>>
          %dma_start3A = arith.constant 0 : i32
          %dma_start3A_146 = arith.constant 0 : i32
          %dma_start3A_147 = tpu.memref_slice %arg7[%dma_start3A, %dma_start3A_146] : memref<10000x128xf32, #tpu.memory_space<vmem_shared>> -> memref<10000x128xf32, #tpu.memory_space<vmem_shared>>
          tpu.enqueue_indirect_dma source(%dma_start3A_147 : memref<10000x128xf32, #tpu.memory_space<vmem_shared>>) target(%arg9 : memref<80x128xf32, #tpu.memory_space<vmem>>) offsets(%arg8 : memref<80xi32, #tpu.memory_space<vmem>>) semaphore(%run_scoped3A : memref<!tpu.dma_semaphore, #tpu.memory_space<semaphore_mem>>)
          %dma_wait3A = arith.constant 0 : i32
          %dma_wait3A_148 = arith.constant 0 : i32
          %dma_wait3A_149 = tpu.memref_slice %arg7[%dma_wait3A, %dma_wait3A_148] : memref<10000x128xf32, #tpu.memory_space<vmem_shared>> -> memref<10000x128xf32, #tpu.memory_space<vmem_shared>>
          tpu.wait_indirect_dma semaphore(%run_scoped3A : memref<!tpu.dma_semaphore, #tpu.memory_space<semaphore_mem>>) src(%dma_wait3A_149 : memref<10000x128xf32, #tpu.memory_space<vmem_shared>>) dst(%arg9 : memref<80x128xf32, #tpu.memory_space<vmem>>)
          tpu.yield
        }) : () -> ()
        %mul3A_144 = arith.constant 80 : i32
        %mul3A_145 = arith.muli %while3A_85, %mul3A_144 : i32
        "tpu.region"() ({
          %run_scoped3A = tpu.sem_alloc : memref<!tpu.dma_semaphore, #tpu.memory_space<semaphore_mem>>
          %dma_start3A = arith.constant 0 : i32
          %dma_start3A_146 = tpu.memref_slice %arg6[%mul3A_145, %dma_start3A] : memref<10000x128xf32, #tpu.memory_space<hbm>> -> memref<80x128xf32, #tpu.memory_space<hbm>>
          %dma_start3A_147 = arith.constant 0 : i32
          %dma_start3A_148 = tpu.memref_slice %arg6[%mul3A_145, %dma_start3A_147] : memref<10000x128xf32, #tpu.memory_space<hbm>> -> memref<80x128xf32, #tpu.memory_space<hbm>>
          tpu.enqueue_dma source(%arg9 : memref<80x128xf32, #tpu.memory_space<vmem>>) target(%dma_start3A_148 : memref<80x128xf32, #tpu.memory_space<hbm>>) target_semaphore(%run_scoped3A : memref<!tpu.dma_semaphore, #tpu.memory_space<semaphore_mem>>)
          %dma_wait3A = arith.constant 0 : i32
          %dma_wait3A_149 = tpu.memref_slice %arg6[%mul3A_145, %dma_wait3A] : memref<10000x128xf32, #tpu.memory_space<hbm>> -> memref<80x128xf32, #tpu.memory_space<hbm>>
          %dma_wait3A_150 = arith.constant 0 : i32
          %dma_wait3A_151 = tpu.memref_slice %arg6[%mul3A_145, %dma_wait3A_150] : memref<10000x128xf32, #tpu.memory_space<hbm>> -> memref<80x128xf32, #tpu.memory_space<hbm>>
          tpu.wait_dma2 semaphore(%run_scoped3A : memref<!tpu.dma_semaphore, #tpu.memory_space<semaphore_mem>>) src(%arg9 : memref<80x128xf32, #tpu.memory_space<vmem>>) dst(%dma_wait3A_151 : memref<80x128xf32, #tpu.memory_space<hbm>>)
          tpu.yield
        }) : () -> ()
      }
    } else {
    }
    return
  }
}

module attributes {stable_mosaic.version = 14 : i64} {
  func.func @_qkv_body(%arg0: i32, %arg1: memref<1000x128xf32, #tpu.memory_space<vmem>>, %arg2: memref<128x128xf32, #tpu.memory_space<vmem>>, %arg3: memref<128x128xf32, #tpu.memory_space<vmem>>, %arg4: memref<128x128xf32, #tpu.memory_space<vmem>>, %arg5: memref<1000x128xf32, #tpu.memory_space<vmem>>, %arg6: memref<1000x128xf32, #tpu.memory_space<vmem>>, %arg7: memref<1000x128xf32, #tpu.memory_space<vmem>>) attributes {dimension_semantics = [#tpu.dimension_semantics<arbitrary>], iteration_bounds = array<i64: 10>, scalar_prefetch = 0 : i64, scratch_operands = 0 : i64, tpu.core_type = #tpu.core_type<tc>, window_params = [{transform_indices = @transform_0, window_bounds = array<i64: 1000, 128>}, {pipeline_mode = #tpu.pipeline_mode<synchronous>, transform_indices = @transform_1, window_bounds = array<i64: 128, 128>}, {pipeline_mode = #tpu.pipeline_mode<synchronous>, transform_indices = @transform_2, window_bounds = array<i64: 128, 128>}, {pipeline_mode = #tpu.pipeline_mode<synchronous>, transform_indices = @transform_3, window_bounds = array<i64: 128, 128>}, {transform_indices = @transform_4, window_bounds = array<i64: 1000, 128>}, {transform_indices = @transform_5, window_bounds = array<i64: 1000, 128>}, {transform_indices = @transform_6, window_bounds = array<i64: 1000, 128>}]} {
    %get3A = arith.constant 0 : index
    %get3A_0 = arith.constant 0 : index
    %get3A_1 = vector.load %arg1[%get3A, %get3A_0] : memref<1000x128xf32, #tpu.memory_space<vmem>>, vector<1000x128xf32>
    %get3A_2 = arith.constant 0 : index
    %get3A_3 = arith.constant 0 : index
    %get3A_4 = vector.load %arg2[%get3A_2, %get3A_3] : memref<128x128xf32, #tpu.memory_space<vmem>>, vector<128x128xf32>
    %dot_general3A = arith.constant dense<0.000000e+00> : vector<1000x128xf32>
    %dot_general3A_5 = tpu.matmul %get3A_1, %get3A_4, %dot_general3A {dimension_numbers = #tpu.dot_dimension_numbers<[1], [0], [0], [1], [0, 0, 1, 1], [], []>, transpose_lhs_hint = false} : vector<1000x128xf32>, vector<128x128xf32>, vector<1000x128xf32> -> vector<1000x128xf32>
    %swap3A = arith.constant 0 : index
    %swap3A_6 = arith.constant 0 : index
    %swap3A_7 = vector.load %arg5[%swap3A, %swap3A_6] : memref<1000x128xf32, #tpu.memory_space<vmem>>, vector<1000x128xf32>
    tpu.vector_store %arg5[%swap3A, %swap3A_6], %dot_general3A_5 {strides = array<i32>} : memref<1000x128xf32, #tpu.memory_space<vmem>>, vector<1000x128xf32>,
    %get3A_8 = arith.constant 0 : index
    %get3A_9 = arith.constant 0 : index
    %get3A_10 = vector.load %arg3[%get3A_8, %get3A_9] : memref<128x128xf32, #tpu.memory_space<vmem>>, vector<128x128xf32>
    %dot_general3A_11 = arith.constant dense<0.000000e+00> : vector<1000x128xf32>
    %dot_general3A_12 = tpu.matmul %get3A_1, %get3A_10, %dot_general3A_11 {dimension_numbers = #tpu.dot_dimension_numbers<[1], [0], [0], [1], [0, 0, 1, 1], [], []>, transpose_lhs_hint = false} : vector<1000x128xf32>, vector<128x128xf32>, vector<1000x128xf32> -> vector<1000x128xf32>
    %swap3A_13 = arith.constant 0 : index
    %swap3A_14 = arith.constant 0 : index
    %swap3A_15 = vector.load %arg6[%swap3A_13, %swap3A_14] : memref<1000x128xf32, #tpu.memory_space<vmem>>, vector<1000x128xf32>
    tpu.vector_store %arg6[%swap3A_13, %swap3A_14], %dot_general3A_12 {strides = array<i32>} : memref<1000x128xf32, #tpu.memory_space<vmem>>, vector<1000x128xf32>,
    %get3A_16 = arith.constant 0 : index
    %get3A_17 = arith.constant 0 : index
    %get3A_18 = vector.load %arg4[%get3A_16, %get3A_17] : memref<128x128xf32, #tpu.memory_space<vmem>>, vector<128x128xf32>
    %dot_general3A_19 = arith.constant dense<0.000000e+00> : vector<1000x128xf32>
    %dot_general3A_20 = tpu.matmul %get3A_1, %get3A_18, %dot_general3A_19 {dimension_numbers = #tpu.dot_dimension_numbers<[1], [0], [0], [1], [0, 0, 1, 1], [], []>, transpose_lhs_hint = false} : vector<1000x128xf32>, vector<128x128xf32>, vector<1000x128xf32> -> vector<1000x128xf32>
    %swap3A_21 = arith.constant 0 : index
    %swap3A_22 = arith.constant 0 : index
    %swap3A_23 = vector.load %arg7[%swap3A_21, %swap3A_22] : memref<1000x128xf32, #tpu.memory_space<vmem>>, vector<1000x128xf32>
    tpu.vector_store %arg7[%swap3A_21, %swap3A_22], %dot_general3A_20 {strides = array<i32>} : memref<1000x128xf32, #tpu.memory_space<vmem>>, vector<1000x128xf32>,
    return
  }
  func.func @transform_0(%arg0: i32) -> (i32, i32) {
    %c0_i32 = arith.constant 0 : i32
    %c0_i32_0 = arith.constant 0 : i32
    return %arg0, %c0_i32 : i32, i32
  }
  func.func @transform_1(%arg0: i32) -> (i32, i32) {
    %c0_i32 = arith.constant 0 : i32
    %c0_i32_0 = arith.constant 0 : i32
    %c0_i32_1 = arith.constant 0 : i32
    return %c0_i32, %c0_i32_0 : i32, i32
  }
  func.func @transform_2(%arg0: i32) -> (i32, i32) {
    %c0_i32 = arith.constant 0 : i32
    %c0_i32_0 = arith.constant 0 : i32
    %c0_i32_1 = arith.constant 0 : i32
    return %c0_i32, %c0_i32_0 : i32, i32
  }
  func.func @transform_3(%arg0: i32) -> (i32, i32) {
    %c0_i32 = arith.constant 0 : i32
    %c0_i32_0 = arith.constant 0 : i32
    %c0_i32_1 = arith.constant 0 : i32
    return %c0_i32, %c0_i32_0 : i32, i32
  }
  func.func @transform_4(%arg0: i32) -> (i32, i32) {
    %c0_i32 = arith.constant 0 : i32
    %c0_i32_0 = arith.constant 0 : i32
    return %arg0, %c0_i32 : i32, i32
  }
  func.func @transform_5(%arg0: i32) -> (i32, i32) {
    %c0_i32 = arith.constant 0 : i32
    %c0_i32_0 = arith.constant 0 : i32
    return %arg0, %c0_i32 : i32, i32
  }
  func.func @transform_6(%arg0: i32) -> (i32, i32) {
    %c0_i32 = arith.constant 0 : i32
    %c0_i32_0 = arith.constant 0 : i32
    return %arg0, %c0_i32 : i32, i32
  }
}

module attributes {stable_mosaic.version = 14 : i64} {
  func.func @_pass1_body(%arg0: i32, %arg1: memref<512x130xf32, #tpu.memory_space<vmem>>, %arg2: memref<512x128xf32, #tpu.memory_space<vmem>>, %arg3: memref<512x128xf32, #tpu.memory_space<vmem>>, %arg4: memref<512x128xf32, #tpu.memory_space<vmem>>, %arg5: memref<130x128xf32, #tpu.memory_space<vmem>>, %arg6: memref<128x128xf32, #tpu.memory_space<vmem>>, %arg7: memref<1x128xf32, #tpu.memory_space<vmem>>, %arg8: memref<1x128xf32, #tpu.memory_space<vmem>>, %arg9: memref<1x128xf32, #tpu.memory_space<vmem>>, %arg10: memref<128x16xf32, #tpu.memory_space<vmem>>, %arg11: memref<16x128xf32, #tpu.memory_space<vmem>>, %arg12: memref<512x128xf32, #tpu.memory_space<vmem>>, %arg13: memref<512x128xf32, #tpu.memory_space<vmem>>, %arg14: memref<512x128xf32, #tpu.memory_space<vmem>>) attributes {dimension_semantics = [#tpu.dimension_semantics<arbitrary>], iteration_bounds = array<i64: 625>, scalar_prefetch = 0 : i64, scratch_operands = 0 : i64, tpu.core_type = #tpu.core_type<tc>, window_params = [{transform_indices = @transform_0, window_bounds = array<i64: 512, 130>}, {transform_indices = @transform_1, window_bounds = array<i64: 512, 128>}, {transform_indices = @transform_2, window_bounds = array<i64: 512, 128>}, {transform_indices = @transform_3, window_bounds = array<i64: 512, 128>}, {pipeline_mode = #tpu.pipeline_mode<synchronous>, transform_indices = @transform_4, window_bounds = array<i64: 130, 128>}, {pipeline_mode = #tpu.pipeline_mode<synchronous>, transform_indices = @transform_5, window_bounds = array<i64: 128, 128>}, {pipeline_mode = #tpu.pipeline_mode<synchronous>, transform_indices = @transform_6, window_bounds = array<i64: 1, 128>}, {pipeline_mode = #tpu.pipeline_mode<synchronous>, transform_indices = @transform_7, window_bounds = array<i64: 1, 128>}, {pipeline_mode = #tpu.pipeline_mode<synchronous>, transform_indices = @transform_8, window_bounds = array<i64: 1, 128>}, {pipeline_mode = #tpu.pipeline_mode<synchronous>, transform_indices = @transform_9, window_bounds = array<i64: 128, 16>}, {pipeline_mode = #tpu.pipeline_mode<synchronous>, transform_indices = @transform_10, window_bounds = array<i64: 16, 128>}, {transform_indices = @transform_11, window_bounds = array<i64: 512, 128>}, {transform_indices = @transform_12, window_bounds = array<i64: 512, 128>}, {transform_indices = @transform_13, window_bounds = array<i64: 512, 128>}]} {
    %get3A = arith.constant 0 : index
    %get3A_0 = arith.constant 0 : index
    %get3A_1 = vector.load %arg1[%get3A, %get3A_0] : memref<512x130xf32, #tpu.memory_space<vmem>>, vector<512x130xf32>
    %get3A_2 = arith.constant 0 : index
    %get3A_3 = arith.constant 0 : index
    %get3A_4 = vector.load %arg5[%get3A_2, %get3A_3] : memref<130x128xf32, #tpu.memory_space<vmem>>, vector<130x128xf32>
    %dot_general3A = arith.constant dense<0.000000e+00> : vector<512x128xf32>
    %dot_general3A_5 = tpu.matmul %get3A_1, %get3A_4, %dot_general3A {dimension_numbers = #tpu.dot_dimension_numbers<[1], [0], [0], [1], [0, 0, 1, 1], [], []>, transpose_lhs_hint = false} : vector<512x130xf32>, vector<130x128xf32>, vector<512x128xf32> -> vector<512x128xf32>
    %get3A_6 = arith.constant 0 : index
    %get3A_7 = arith.constant 0 : index
    %get3A_8 = vector.load %arg2[%get3A_6, %get3A_7] : memref<512x128xf32, #tpu.memory_space<vmem>>, vector<512x128xf32>
    %get3A_9 = arith.constant 0 : index
    %get3A_10 = arith.constant 0 : index
    %get3A_11 = vector.load %arg3[%get3A_9, %get3A_10] : memref<512x128xf32, #tpu.memory_space<vmem>>, vector<512x128xf32>
    %mul3A = arith.mulf %get3A_8, %get3A_11 : vector<512x128xf32>
    %mul3A_12 = arith.mulf %mul3A, %dot_general3A_5 : vector<512x128xf32>
    %mul3A_13 = arith.constant 2.500000e-01 : f32
    %mul3A_14 = vector.broadcast %mul3A_13 : f32 to vector<512x128xf32>
    %mul3A_15 = arith.mulf %mul3A_12, %mul3A_14 : vector<512x128xf32>
    %get3A_16 = arith.constant 0 : index
    %get3A_17 = arith.constant 0 : index
    %get3A_18 = vector.load %arg10[%get3A_16, %get3A_17] : memref<128x16xf32, #tpu.memory_space<vmem>>, vector<128x16xf32>
    %dot_general3A_19 = arith.constant dense<0.000000e+00> : vector<512x16xf32>
    %dot_general3A_20 = tpu.matmul %mul3A_15, %get3A_18, %dot_general3A_19 {dimension_numbers = #tpu.dot_dimension_numbers<[1], [0], [0], [1], [0, 0, 1, 1], [], []>, transpose_lhs_hint = false} : vector<512x128xf32>, vector<128x16xf32>, vector<512x16xf32> -> vector<512x16xf32>
    %jit3A = arith.constant -5.000000e+00 : f32
    %jit3A_21 = arith.constant 5.000000e+00 : f32
    %max3A = vector.broadcast %jit3A : f32 to vector<512x16xf32>
    %max3A_22 = arith.maximumf %max3A, %dot_general3A_20 : vector<512x16xf32>
    %min3A = vector.broadcast %jit3A_21 : f32 to vector<512x16xf32>
    %min3A_23 = arith.minimumf %min3A, %max3A_22 : vector<512x16xf32>
    %exp3A = math.exp %min3A_23 : vector<512x16xf32>
    %get3A_24 = arith.constant 0 : index
    %get3A_25 = arith.constant 0 : index
    %get3A_26 = vector.load %arg11[%get3A_24, %get3A_25] : memref<16x128xf32, #tpu.memory_space<vmem>>, vector<16x128xf32>
    %dot_general3A_27 = arith.constant dense<0.000000e+00> : vector<512x128xf32>
    %dot_general3A_28 = tpu.matmul %exp3A, %get3A_26, %dot_general3A_27 {dimension_numbers = #tpu.dot_dimension_numbers<[1], [0], [0], [1], [0, 0, 1, 1], [], []>, transpose_lhs_hint = false} : vector<512x16xf32>, vector<16x128xf32>, vector<512x128xf32> -> vector<512x128xf32>
    %swap3A = arith.constant 0 : index
    %swap3A_29 = arith.constant 0 : index
    %swap3A_30 = vector.load %arg14[%swap3A, %swap3A_29] : memref<512x128xf32, #tpu.memory_space<vmem>>, vector<512x128xf32>
    tpu.vector_store %arg14[%swap3A, %swap3A_29], %dot_general3A_28 {strides = array<i32>} : memref<512x128xf32, #tpu.memory_space<vmem>>, vector<512x128xf32>,
    %get3A_31 = arith.constant 0 : index
    %get3A_32 = arith.constant 0 : index
    %get3A_33 = vector.load %arg4[%get3A_31, %get3A_32] : memref<512x128xf32, #tpu.memory_space<vmem>>, vector<512x128xf32>
    %mul3A_34 = arith.mulf %get3A_33, %dot_general3A_28 : vector<512x128xf32>
    %swap3A_35 = arith.constant 0 : index
    %swap3A_36 = arith.constant 0 : index
    %swap3A_37 = vector.load %arg13[%swap3A_35, %swap3A_36] : memref<512x128xf32, #tpu.memory_space<vmem>>, vector<512x128xf32>
    tpu.vector_store %arg13[%swap3A_35, %swap3A_36], %mul3A_34 {strides = array<i32>} : memref<512x128xf32, #tpu.memory_space<vmem>>, vector<512x128xf32>,
    %get3A_38 = arith.constant 0 : index
    %get3A_39 = arith.constant 0 : index
    %get3A_40 = vector.load %arg6[%get3A_38, %get3A_39] : memref<128x128xf32, #tpu.memory_space<vmem>>, vector<128x128xf32>
    %dot_general3A_41 = arith.constant dense<0.000000e+00> : vector<512x128xf32>
    %dot_general3A_42 = tpu.matmul %mul3A_15, %get3A_40, %dot_general3A_41 {dimension_numbers = #tpu.dot_dimension_numbers<[1], [0], [0], [1], [0, 0, 1, 1], [], []>, transpose_lhs_hint = false} : vector<512x128xf32>, vector<128x128xf32>, vector<512x128xf32> -> vector<512x128xf32>
    %get3A_43 = arith.constant 0 : index
    %get3A_44 = arith.constant 0 : index
    %get3A_45 = vector.load %arg7[%get3A_43, %get3A_44] : memref<1x128xf32, #tpu.memory_space<vmem>>, vector<1x128xf32>
    %add3A = vector.broadcast %get3A_45 : vector<1x128xf32> to vector<512x128xf32>
    %add3A_46 = arith.addf %dot_general3A_42, %add3A : vector<512x128xf32>
    %reduce_sum3A = arith.constant dense<0.000000e+00> : vector<512xf32>
    %reduce_sum3A_47 = vector.multi_reduction <add>, %add3A_46, %reduce_sum3A [1] : vector<512x128xf32> to vector<512xf32>
    %broadcast_in_dim3A = vector.shape_cast %reduce_sum3A_47 : vector<512xf32> to vector<512x1xf32>
    %div3A = arith.constant 1.280000e+02 : f32
    %div3A_48 = vector.broadcast %div3A : f32 to vector<512x1xf32>
    %div3A_49 = arith.divf %broadcast_in_dim3A, %div3A_48 : vector<512x1xf32>
    %sub3A = vector.broadcast %div3A_49 : vector<512x1xf32> to vector<512x128xf32>
    %sub3A_50 = arith.subf %add3A_46, %sub3A : vector<512x128xf32>
    %sub3A_51 = vector.broadcast %div3A_49 : vector<512x1xf32> to vector<512x128xf32>
    %sub3A_52 = arith.subf %add3A_46, %sub3A_51 : vector<512x128xf32>
    %mul3A_53 = arith.mulf %sub3A_50, %sub3A_52 : vector<512x128xf32>
    %reduce_sum3A_54 = arith.constant dense<0.000000e+00> : vector<512xf32>
    %reduce_sum3A_55 = vector.multi_reduction <add>, %mul3A_53, %reduce_sum3A_54 [1] : vector<512x128xf32> to vector<512xf32>
    %broadcast_in_dim3A_56 = vector.shape_cast %reduce_sum3A_55 : vector<512xf32> to vector<512x1xf32>
    %div3A_57 = arith.constant 1.280000e+02 : f32
    %div3A_58 = vector.broadcast %div3A_57 : f32 to vector<512x1xf32>
    %div3A_59 = arith.divf %broadcast_in_dim3A_56, %div3A_58 : vector<512x1xf32>
    %sub3A_60 = vector.broadcast %div3A_49 : vector<512x1xf32> to vector<512x128xf32>
    %sub3A_61 = arith.subf %add3A_46, %sub3A_60 : vector<512x128xf32>
    %add3A_62 = arith.constant 9.99999974E-6 : f32
    %add3A_63 = vector.broadcast %add3A_62 : f32 to vector<512x1xf32>
    %add3A_64 = arith.addf %div3A_59, %add3A_63 : vector<512x1xf32>
    %rsqrt3A = math.rsqrt %add3A_64 : vector<512x1xf32>
    %mul3A_65 = vector.broadcast %rsqrt3A : vector<512x1xf32> to vector<512x128xf32>
    %mul3A_66 = arith.mulf %sub3A_61, %mul3A_65 : vector<512x128xf32>
    %get3A_67 = arith.constant 0 : index
    %get3A_68 = arith.constant 0 : index
    %get3A_69 = vector.load %arg8[%get3A_67, %get3A_68] : memref<1x128xf32, #tpu.memory_space<vmem>>, vector<1x128xf32>
    %mul3A_70 = vector.broadcast %get3A_69 : vector<1x128xf32> to vector<512x128xf32>
    %mul3A_71 = arith.mulf %mul3A_66, %mul3A_70 : vector<512x128xf32>
    %get3A_72 = arith.constant 0 : index
    %get3A_73 = arith.constant 0 : index
    %get3A_74 = vector.load %arg9[%get3A_72, %get3A_73] : memref<1x128xf32, #tpu.memory_space<vmem>>, vector<1x128xf32>
    %add3A_75 = vector.broadcast %get3A_74 : vector<1x128xf32> to vector<512x128xf32>
    %add3A_76 = arith.addf %mul3A_71, %add3A_75 : vector<512x128xf32>
    %swap3A_77 = arith.constant 0 : index
    %swap3A_78 = arith.constant 0 : index
    %swap3A_79 = vector.load %arg12[%swap3A_77, %swap3A_78] : memref<512x128xf32, #tpu.memory_space<vmem>>, vector<512x128xf32>
    tpu.vector_store %arg12[%swap3A_77, %swap3A_78], %add3A_76 {strides = array<i32>} : memref<512x128xf32, #tpu.memory_space<vmem>>, vector<512x128xf32>,
    return
  }
  func.func @transform_0(%arg0: i32) -> (i32, i32) {
    %c0_i32 = arith.constant 0 : i32
    %c0_i32_0 = arith.constant 0 : i32
    return %arg0, %c0_i32 : i32, i32
  }
  func.func @transform_1(%arg0: i32) -> (i32, i32) {
    %c0_i32 = arith.constant 0 : i32
    %c0_i32_0 = arith.constant 0 : i32
    return %arg0, %c0_i32 : i32, i32
  }
  func.func @transform_2(%arg0: i32) -> (i32, i32) {
    %c0_i32 = arith.constant 0 : i32
    %c0_i32_0 = arith.constant 0 : i32
    return %arg0, %c0_i32 : i32, i32
  }
  func.func @transform_3(%arg0: i32) -> (i32, i32) {
    %c0_i32 = arith.constant 0 : i32
    %c0_i32_0 = arith.constant 0 : i32
    return %arg0, %c0_i32 : i32, i32
  }
  func.func @transform_4(%arg0: i32) -> (i32, i32) {
    %c0_i32 = arith.constant 0 : i32
    %c0_i32_0 = arith.constant 0 : i32
    %c0_i32_1 = arith.constant 0 : i32
    return %c0_i32, %c0_i32_0 : i32, i32
  }
  func.func @transform_5(%arg0: i32) -> (i32, i32) {
    %c0_i32 = arith.constant 0 : i32
    %c0_i32_0 = arith.constant 0 : i32
    %c0_i32_1 = arith.constant 0 : i32
    return %c0_i32, %c0_i32_0 : i32, i32
  }
  func.func @transform_6(%arg0: i32) -> (i32, i32) {
    %c0_i32 = arith.constant 0 : i32
    %c0_i32_0 = arith.constant 0 : i32
    %c0_i32_1 = arith.constant 0 : i32
    return %c0_i32, %c0_i32_0 : i32, i32
  }
  func.func @transform_7(%arg0: i32) -> (i32, i32) {
    %c0_i32 = arith.constant 0 : i32
    %c0_i32_0 = arith.constant 0 : i32
    %c0_i32_1 = arith.constant 0 : i32
    return %c0_i32, %c0_i32_0 : i32, i32
  }
  func.func @transform_8(%arg0: i32) -> (i32, i32) {
    %c0_i32 = arith.constant 0 : i32
    %c0_i32_0 = arith.constant 0 : i32
    %c0_i32_1 = arith.constant 0 : i32
    return %c0_i32, %c0_i32_0 : i32, i32
  }
  func.func @transform_9(%arg0: i32) -> (i32, i32) {
    %c0_i32 = arith.constant 0 : i32
    %c0_i32_0 = arith.constant 0 : i32
    %c0_i32_1 = arith.constant 0 : i32
    return %c0_i32, %c0_i32_0 : i32, i32
  }
  func.func @transform_10(%arg0: i32) -> (i32, i32) {
    %c0_i32 = arith.constant 0 : i32
    %c0_i32_0 = arith.constant 0 : i32
    %c0_i32_1 = arith.constant 0 : i32
    return %c0_i32, %c0_i32_0 : i32, i32
  }
  func.func @transform_11(%arg0: i32) -> (i32, i32) {
    %c0_i32 = arith.constant 0 : i32
    %c0_i32_0 = arith.constant 0 : i32
    return %arg0, %c0_i32 : i32, i32
  }
  func.func @transform_12(%arg0: i32) -> (i32, i32) {
    %c0_i32 = arith.constant 0 : i32
    %c0_i32_0 = arith.constant 0 : i32
    return %arg0, %c0_i32 : i32, i32
  }
  func.func @transform_13(%arg0: i32) -> (i32, i32) {
    %c0_i32 = arith.constant 0 : i32
    %c0_i32_0 = arith.constant 0 : i32
    return %arg0, %c0_i32 : i32, i32
  }
}

module attributes {stable_mosaic.version = 14 : i64} {
  func.func @_h2_body(%arg0: i32, %arg1: memref<1000x128xf32, #tpu.memory_space<vmem>>, %arg2: memref<1000x128xf32, #tpu.memory_space<vmem>>, %arg3: memref<128x128xf32, #tpu.memory_space<vmem>>, %arg4: memref<1x128xf32, #tpu.memory_space<vmem>>, %arg5: memref<1x128xf32, #tpu.memory_space<vmem>>, %arg6: memref<1x128xf32, #tpu.memory_space<vmem>>, %arg7: memref<1000x128xf32, #tpu.memory_space<vmem>>) attributes {dimension_semantics = [#tpu.dimension_semantics<arbitrary>], iteration_bounds = array<i64: 10>, scalar_prefetch = 0 : i64, scratch_operands = 0 : i64, tpu.core_type = #tpu.core_type<tc>, window_params = [{transform_indices = @transform_0, window_bounds = array<i64: 1000, 128>}, {transform_indices = @transform_1, window_bounds = array<i64: 1000, 128>}, {pipeline_mode = #tpu.pipeline_mode<synchronous>, transform_indices = @transform_2, window_bounds = array<i64: 128, 128>}, {pipeline_mode = #tpu.pipeline_mode<synchronous>, transform_indices = @transform_3, window_bounds = array<i64: 1, 128>}, {pipeline_mode = #tpu.pipeline_mode<synchronous>, transform_indices = @transform_4, window_bounds = array<i64: 1, 128>}, {pipeline_mode = #tpu.pipeline_mode<synchronous>, transform_indices = @transform_5, window_bounds = array<i64: 1, 128>}, {transform_indices = @transform_6, window_bounds = array<i64: 1000, 128>}]} {
    %get3A = arith.constant 0 : index
    %get3A_0 = arith.constant 0 : index
    %get3A_1 = vector.load %arg1[%get3A, %get3A_0] : memref<1000x128xf32, #tpu.memory_space<vmem>>, vector<1000x128xf32>
    %get3A_2 = arith.constant 0 : index
    %get3A_3 = arith.constant 0 : index
    %get3A_4 = vector.load %arg2[%get3A_2, %get3A_3] : memref<1000x128xf32, #tpu.memory_space<vmem>>, vector<1000x128xf32>
    %add3A = arith.constant 9.99999997E-7 : f32
    %add3A_5 = vector.broadcast %add3A : f32 to vector<1000x128xf32>
    %add3A_6 = arith.addf %get3A_4, %add3A_5 : vector<1000x128xf32>
    %div3A = arith.divf %get3A_1, %add3A_6 : vector<1000x128xf32>
    %get3A_7 = arith.constant 0 : index
    %get3A_8 = arith.constant 0 : index
    %get3A_9 = vector.load %arg3[%get3A_7, %get3A_8] : memref<128x128xf32, #tpu.memory_space<vmem>>, vector<128x128xf32>
    %dot_general3A = arith.constant dense<0.000000e+00> : vector<1000x128xf32>
    %dot_general3A_10 = tpu.matmul %div3A, %get3A_9, %dot_general3A {dimension_numbers = #tpu.dot_dimension_numbers<[1], [0], [0], [1], [0, 0, 1, 1], [], []>, transpose_lhs_hint = false} : vector<1000x128xf32>, vector<128x128xf32>, vector<1000x128xf32> -> vector<1000x128xf32>
    %get3A_11 = arith.constant 0 : index
    %get3A_12 = arith.constant 0 : index
    %get3A_13 = vector.load %arg4[%get3A_11, %get3A_12] : memref<1x128xf32, #tpu.memory_space<vmem>>, vector<1x128xf32>
    %add3A_14 = vector.broadcast %get3A_13 : vector<1x128xf32> to vector<1000x128xf32>
    %add3A_15 = arith.addf %dot_general3A_10, %add3A_14 : vector<1000x128xf32>
    %reduce_sum3A = arith.constant dense<0.000000e+00> : vector<1000xf32>
    %reduce_sum3A_16 = vector.multi_reduction <add>, %add3A_15, %reduce_sum3A [1] : vector<1000x128xf32> to vector<1000xf32>
    %broadcast_in_dim3A = vector.shape_cast %reduce_sum3A_16 : vector<1000xf32> to vector<1000x1xf32>
    %div3A_17 = arith.constant 1.280000e+02 : f32
    %div3A_18 = vector.broadcast %div3A_17 : f32 to vector<1000x1xf32>
    %div3A_19 = arith.divf %broadcast_in_dim3A, %div3A_18 : vector<1000x1xf32>
    %sub3A = vector.broadcast %div3A_19 : vector<1000x1xf32> to vector<1000x128xf32>
    %sub3A_20 = arith.subf %add3A_15, %sub3A : vector<1000x128xf32>
    %sub3A_21 = vector.broadcast %div3A_19 : vector<1000x1xf32> to vector<1000x128xf32>
    %sub3A_22 = arith.subf %add3A_15, %sub3A_21 : vector<1000x128xf32>
    %mul3A = arith.mulf %sub3A_20, %sub3A_22 : vector<1000x128xf32>
    %reduce_sum3A_23 = arith.constant dense<0.000000e+00> : vector<1000xf32>
    %reduce_sum3A_24 = vector.multi_reduction <add>, %mul3A, %reduce_sum3A_23 [1] : vector<1000x128xf32> to vector<1000xf32>
    %broadcast_in_dim3A_25 = vector.shape_cast %reduce_sum3A_24 : vector<1000xf32> to vector<1000x1xf32>
    %div3A_26 = arith.constant 1.280000e+02 : f32
    %div3A_27 = vector.broadcast %div3A_26 : f32 to vector<1000x1xf32>
    %div3A_28 = arith.divf %broadcast_in_dim3A_25, %div3A_27 : vector<1000x1xf32>
    %sub3A_29 = vector.broadcast %div3A_19 : vector<1000x1xf32> to vector<1000x128xf32>
    %sub3A_30 = arith.subf %add3A_15, %sub3A_29 : vector<1000x128xf32>
    %add3A_31 = arith.constant 9.99999974E-6 : f32
    %add3A_32 = vector.broadcast %add3A_31 : f32 to vector<1000x1xf32>
    %add3A_33 = arith.addf %div3A_28, %add3A_32 : vector<1000x1xf32>
    %rsqrt3A = math.rsqrt %add3A_33 : vector<1000x1xf32>
    %mul3A_34 = vector.broadcast %rsqrt3A : vector<1000x1xf32> to vector<1000x128xf32>
    %mul3A_35 = arith.mulf %sub3A_30, %mul3A_34 : vector<1000x128xf32>
    %get3A_36 = arith.constant 0 : index
    %get3A_37 = arith.constant 0 : index
    %get3A_38 = vector.load %arg5[%get3A_36, %get3A_37] : memref<1x128xf32, #tpu.memory_space<vmem>>, vector<1x128xf32>
    %mul3A_39 = vector.broadcast %get3A_38 : vector<1x128xf32> to vector<1000x128xf32>
    %mul3A_40 = arith.mulf %mul3A_35, %mul3A_39 : vector<1000x128xf32>
    %get3A_41 = arith.constant 0 : index
    %get3A_42 = arith.constant 0 : index
    %get3A_43 = vector.load %arg6[%get3A_41, %get3A_42] : memref<1x128xf32, #tpu.memory_space<vmem>>, vector<1x128xf32>
    %add3A_44 = vector.broadcast %get3A_43 : vector<1x128xf32> to vector<1000x128xf32>
    %add3A_45 = arith.addf %mul3A_40, %add3A_44 : vector<1000x128xf32>
    %swap3A = arith.constant 0 : index
    %swap3A_46 = arith.constant 0 : index
    %swap3A_47 = vector.load %arg7[%swap3A, %swap3A_46] : memref<1000x128xf32, #tpu.memory_space<vmem>>, vector<1000x128xf32>
    tpu.vector_store %arg7[%swap3A, %swap3A_46], %add3A_45 {strides = array<i32>} : memref<1000x128xf32, #tpu.memory_space<vmem>>, vector<1000x128xf32>,
    return
  }
  func.func @transform_0(%arg0: i32) -> (i32, i32) {
    %c0_i32 = arith.constant 0 : i32
    %c0_i32_0 = arith.constant 0 : i32
    return %arg0, %c0_i32 : i32, i32
  }
  func.func @transform_1(%arg0: i32) -> (i32, i32) {
    %c0_i32 = arith.constant 0 : i32
    %c0_i32_0 = arith.constant 0 : i32
    return %arg0, %c0_i32 : i32, i32
  }
  func.func @transform_2(%arg0: i32) -> (i32, i32) {
    %c0_i32 = arith.constant 0 : i32
    %c0_i32_0 = arith.constant 0 : i32
    %c0_i32_1 = arith.constant 0 : i32
    return %c0_i32, %c0_i32_0 : i32, i32
  }
  func.func @transform_3(%arg0: i32) -> (i32, i32) {
    %c0_i32 = arith.constant 0 : i32
    %c0_i32_0 = arith.constant 0 : i32
    %c0_i32_1 = arith.constant 0 : i32
    return %c0_i32, %c0_i32_0 : i32, i32
  }
  func.func @transform_4(%arg0: i32) -> (i32, i32) {
    %c0_i32 = arith.constant 0 : i32
    %c0_i32_0 = arith.constant 0 : i32
    %c0_i32_1 = arith.constant 0 : i32
    return %c0_i32, %c0_i32_0 : i32, i32
  }
  func.func @transform_5(%arg0: i32) -> (i32, i32) {
    %c0_i32 = arith.constant 0 : i32
    %c0_i32_0 = arith.constant 0 : i32
    %c0_i32_1 = arith.constant 0 : i32
    return %c0_i32, %c0_i32_0 : i32, i32
  }
  func.func @transform_6(%arg0: i32) -> (i32, i32) {
    %c0_i32 = arith.constant 0 : i32
    %c0_i32_0 = arith.constant 0 : i32
    return %arg0, %c0_i32 : i32, i32
  }
}

module attributes {stable_mosaic.version = 14 : i64} {
  func.func @_final_body(%arg0: i32, %arg1: memref<512x128xf32, #tpu.memory_space<vmem>>, %arg2: memref<512x128xf32, #tpu.memory_space<vmem>>, %arg3: memref<512x128xf32, #tpu.memory_space<vmem>>, %arg4: memref<128x192xf32, #tpu.memory_space<vmem>>, %arg5: memref<128x192xf32, #tpu.memory_space<vmem>>, %arg6: memref<128x192xf32, #tpu.memory_space<vmem>>, %arg7: memref<1x192xf32, #tpu.memory_space<vmem>>, %arg8: memref<192x4xf32, #tpu.memory_space<vmem>>, %arg9: memref<1x4xf32, #tpu.memory_space<vmem>>, %arg10: memref<512x4xf32, #tpu.memory_space<vmem>>) attributes {dimension_semantics = [#tpu.dimension_semantics<arbitrary>], iteration_bounds = array<i64: 625>, scalar_prefetch = 0 : i64, scratch_operands = 0 : i64, tpu.core_type = #tpu.core_type<tc>, window_params = [{transform_indices = @transform_0, window_bounds = array<i64: 512, 128>}, {transform_indices = @transform_1, window_bounds = array<i64: 512, 128>}, {transform_indices = @transform_2, window_bounds = array<i64: 512, 128>}, {pipeline_mode = #tpu.pipeline_mode<synchronous>, transform_indices = @transform_3, window_bounds = array<i64: 128, 192>}, {pipeline_mode = #tpu.pipeline_mode<synchronous>, transform_indices = @transform_4, window_bounds = array<i64: 128, 192>}, {pipeline_mode = #tpu.pipeline_mode<synchronous>, transform_indices = @transform_5, window_bounds = array<i64: 128, 192>}, {pipeline_mode = #tpu.pipeline_mode<synchronous>, transform_indices = @transform_6, window_bounds = array<i64: 1, 192>}, {pipeline_mode = #tpu.pipeline_mode<synchronous>, transform_indices = @transform_7, window_bounds = array<i64: 192, 4>}, {pipeline_mode = #tpu.pipeline_mode<synchronous>, transform_indices = @transform_8, window_bounds = array<i64: 1, 4>}, {transform_indices = @transform_9, window_bounds = array<i64: 512, 4>}]} {
    %get3A = arith.constant 0 : index
    %get3A_0 = arith.constant 0 : index
    %get3A_1 = vector.load %arg1[%get3A, %get3A_0] : memref<512x128xf32, #tpu.memory_space<vmem>>, vector<512x128xf32>
    %get3A_2 = arith.constant 0 : index
    %get3A_3 = arith.constant 0 : index
    %get3A_4 = vector.load %arg4[%get3A_2, %get3A_3] : memref<128x192xf32, #tpu.memory_space<vmem>>, vector<128x192xf32>
    %dot_general3A = arith.constant dense<0.000000e+00> : vector<512x192xf32>
    %dot_general3A_5 = tpu.matmul %get3A_1, %get3A_4, %dot_general3A {dimension_numbers = #tpu.dot_dimension_numbers<[1], [0], [0], [1], [0, 0, 1, 1], [], []>, transpose_lhs_hint = false} : vector<512x128xf32>, vector<128x192xf32>, vector<512x192xf32> -> vector<512x192xf32>
    %get3A_6 = arith.constant 0 : index
    %get3A_7 = arith.constant 0 : index
    %get3A_8 = vector.load %arg3[%get3A_6, %get3A_7] : memref<512x128xf32, #tpu.memory_space<vmem>>, vector<512x128xf32>
    %get3A_9 = arith.constant 0 : index
    %get3A_10 = arith.constant 0 : index
    %get3A_11 = vector.load %arg5[%get3A_9, %get3A_10] : memref<128x192xf32, #tpu.memory_space<vmem>>, vector<128x192xf32>
    %dot_general3A_12 = arith.constant dense<0.000000e+00> : vector<512x192xf32>
    %dot_general3A_13 = tpu.matmul %get3A_8, %get3A_11, %dot_general3A_12 {dimension_numbers = #tpu.dot_dimension_numbers<[1], [0], [0], [1], [0, 0, 1, 1], [], []>, transpose_lhs_hint = false} : vector<512x128xf32>, vector<128x192xf32>, vector<512x192xf32> -> vector<512x192xf32>
    %add3A = arith.addf %dot_general3A_5, %dot_general3A_13 : vector<512x192xf32>
    %get3A_14 = arith.constant 0 : index
    %get3A_15 = arith.constant 0 : index
    %get3A_16 = vector.load %arg2[%get3A_14, %get3A_15] : memref<512x128xf32, #tpu.memory_space<vmem>>, vector<512x128xf32>
    %get3A_17 = arith.constant 0 : index
    %get3A_18 = arith.constant 0 : index
    %get3A_19 = vector.load %arg6[%get3A_17, %get3A_18] : memref<128x192xf32, #tpu.memory_space<vmem>>, vector<128x192xf32>
    %dot_general3A_20 = arith.constant dense<0.000000e+00> : vector<512x192xf32>
    %dot_general3A_21 = tpu.matmul %get3A_16, %get3A_19, %dot_general3A_20 {dimension_numbers = #tpu.dot_dimension_numbers<[1], [0], [0], [1], [0, 0, 1, 1], [], []>, transpose_lhs_hint = false} : vector<512x128xf32>, vector<128x192xf32>, vector<512x192xf32> -> vector<512x192xf32>
    %add3A_22 = arith.addf %add3A, %dot_general3A_21 : vector<512x192xf32>
    %get3A_23 = arith.constant 0 : index
    %get3A_24 = arith.constant 0 : index
    %get3A_25 = vector.load %arg7[%get3A_23, %get3A_24] : memref<1x192xf32, #tpu.memory_space<vmem>>, vector<1x192xf32>
    %add3A_26 = vector.broadcast %get3A_25 : vector<1x192xf32> to vector<512x192xf32>
    %add3A_27 = arith.addf %add3A_22, %add3A_26 : vector<512x192xf32>
    %max3A = arith.constant 0.000000e+00 : f32
    %max3A_28 = vector.broadcast %max3A : f32 to vector<512x192xf32>
    %max3A_29 = arith.maximumf %add3A_27, %max3A_28 : vector<512x192xf32>
    %get3A_30 = arith.constant 0 : index
    %get3A_31 = arith.constant 0 : index
    %get3A_32 = vector.load %arg8[%get3A_30, %get3A_31] : memref<192x4xf32, #tpu.memory_space<vmem>>, vector<192x4xf32>
    %dot_general3A_33 = arith.constant dense<0.000000e+00> : vector<512x4xf32>
    %dot_general3A_34 = tpu.matmul %max3A_29, %get3A_32, %dot_general3A_33 {dimension_numbers = #tpu.dot_dimension_numbers<[1], [0], [0], [1], [0, 0, 1, 1], [], []>, transpose_lhs_hint = false} : vector<512x192xf32>, vector<192x4xf32>, vector<512x4xf32> -> vector<512x4xf32>
    %get3A_35 = arith.constant 0 : index
    %get3A_36 = arith.constant 0 : index
    %get3A_37 = vector.load %arg9[%get3A_35, %get3A_36] : memref<1x4xf32, #tpu.memory_space<vmem>>, vector<1x4xf32>
    %add3A_38 = vector.broadcast %get3A_37 : vector<1x4xf32> to vector<512x4xf32>
    %add3A_39 = arith.addf %dot_general3A_34, %add3A_38 : vector<512x4xf32>
    %swap3A = arith.constant 0 : index
    %swap3A_40 = arith.constant 0 : index
    %swap3A_41 = vector.load %arg10[%swap3A, %swap3A_40] : memref<512x4xf32, #tpu.memory_space<vmem>>, vector<512x4xf32>
    tpu.vector_store %arg10[%swap3A, %swap3A_40], %add3A_39 {strides = array<i32>} : memref<512x4xf32, #tpu.memory_space<vmem>>, vector<512x4xf32>,
    return
  }
  func.func @transform_0(%arg0: i32) -> (i32, i32) {
    %c0_i32 = arith.constant 0 : i32
    %c0_i32_0 = arith.constant 0 : i32
    return %arg0, %c0_i32 : i32, i32
  }
  func.func @transform_1(%arg0: i32) -> (i32, i32) {
    %c0_i32 = arith.constant 0 : i32
    %c0_i32_0 = arith.constant 0 : i32
    return %arg0, %c0_i32 : i32, i32
  }
  func.func @transform_2(%arg0: i32) -> (i32, i32) {
    %c0_i32 = arith.constant 0 : i32
    %c0_i32_0 = arith.constant 0 : i32
    return %arg0, %c0_i32 : i32, i32
  }
  func.func @transform_3(%arg0: i32) -> (i32, i32) {
    %c0_i32 = arith.constant 0 : i32
    %c0_i32_0 = arith.constant 0 : i32
    %c0_i32_1 = arith.constant 0 : i32
    return %c0_i32, %c0_i32_0 : i32, i32
  }
  func.func @transform_4(%arg0: i32) -> (i32, i32) {
    %c0_i32 = arith.constant 0 : i32
    %c0_i32_0 = arith.constant 0 : i32
    %c0_i32_1 = arith.constant 0 : i32
    return %c0_i32, %c0_i32_0 : i32, i32
  }
  func.func @transform_5(%arg0: i32) -> (i32, i32) {
    %c0_i32 = arith.constant 0 : i32
    %c0_i32_0 = arith.constant 0 : i32
    %c0_i32_1 = arith.constant 0 : i32
    return %c0_i32, %c0_i32_0 : i32, i32
  }
  func.func @transform_6(%arg0: i32) -> (i32, i32) {
    %c0_i32 = arith.constant 0 : i32
    %c0_i32_0 = arith.constant 0 : i32
    %c0_i32_1 = arith.constant 0 : i32
    return %c0_i32, %c0_i32_0 : i32, i32
  }
  func.func @transform_7(%arg0: i32) -> (i32, i32) {
    %c0_i32 = arith.constant 0 : i32
    %c0_i32_0 = arith.constant 0 : i32
    %c0_i32_1 = arith.constant 0 : i32
    return %c0_i32, %c0_i32_0 : i32, i32
  }
  func.func @transform_8(%arg0: i32) -> (i32, i32) {
    %c0_i32 = arith.constant 0 : i32
    %c0_i32_0 = arith.constant 0 : i32
    %c0_i32_1 = arith.constant 0 : i32
    return %c0_i32, %c0_i32_0 : i32, i32
  }
  func.func @transform_9(%arg0: i32) -> (i32, i32) {
    %c0_i32 = arith.constant 0 : i32
    %c0_i32_0 = arith.constant 0 : i32
    return %arg0, %c0_i32 : i32, i32
  }
}

</mosaic_0001>

<sc_bundles>
// kernel: kernel.12.cloned.1.call-start
scs
__scs_entry_jumppad:
0x0: {  	(pc) =	sbr.rel $0x88, $3  }
0x1: {  	(tag) =	ssettag $0x0;
	lr =	simm.s32 $0x1  }
0x2: {  	[smem:$0x3F8E] =	sst lr;
	_ =	strace $0xD0000000  }
0x3: {  	_ = 	snop  }
0x4: {  	_ = 	snop  }
0x5: {  	_ = 	snop  }
0x6: {  	_ = 	snop  }
0x7: {  	_ = 	snop  }
__scs_overlays_trampoline_lowered:
0x8: {  	[smem:$0x3F9D] =	sst s0  }
0x9: {  	[smem:$0x3F9E] =	sst s1  }
0xa: {  	[smem:$0x3F9F] =	sst s2  }
0xb: {  	[smem:$0x3FA0] =	sst s3  }
0xc: {  	[smem:$0x3FA1] =	sst s4  }
0xd: {  	[smem:$0x3FA2] =	sst s5  }
0xe: {  	[smem:$0x3FA3] =	sst s6  }
0xf: {  	[smem:$0x3FA4] =	sst s7  }
0x10: {  	[smem:$0x3FA5] =	sst s8  }
0x11: {  	[smem:$0x3FA6] =	sst s9;
	s0 =	simm.s32 @!p0 $0x0  }
0x12: {  	s1 =	sld [smem:$0x3F8C];
	s0 =	simm.s32 @p0 $0x1  }
0x13: {  	[smem:$0x3FA7] =	sst s0;
	s0 =	simm.s32 @!p1 $0x0  }
0x14: {  	s2 =	sld [smem:$0x3F8B];
	s0 =	simm.s32 @p1 $0x1  }
0x15: {  	[smem:$0x3FA8] =	sst s0;
	s0 =	simm.s32 @!p2 $0x0  }
0x16: {  	s3 =	sld [smem:$0x3FDB];
	s0 =	simm.s32 @p2 $0x1  }
0x17: {  	s4 =	simm.s32 $0x1BF5;
	[smem:$0x3FAA] =	sst s0  }
0x18: {  	s0 =	sld [smem:$0x3F8D];
	_ =	swait.ge [sflag:s4], $0x0  }
0x19: {  	s7 =	sld [smem:$0x3F8E]  }
0x1a: {  	s8 =	sadd.s32 $0xFFFFE003, lr  }
0x1b: {  	s9 =	sadd.s32 $0xFFFFFEF7, lr;
	s5 =	simm.s32 $0xFFFFFFFF;
	p2 =	slt.u32 s8, $0xFFFFF086  }
0x1c: {  	p1 =	slt.u32 s9, $0xF7A;
	s5 =	simm.s32 @!p2 $0x0  }
0x1d: {  	s5 =	simm.s32 @p1 $0x1;
	p0 =	seq.s32 s7, s2  }
0x1e: {  	s7 =	smul.u32 @!p0 $0xF7A, s2;
	p2 =	seq.s32 @!p0 s5, $0x0  }
0x1f: {  	s9 =	smul.u32 $0xF7A, s1;
	s8 =	simm.s32 @!p0 $0x1BF5;
	p2 =	por !p2, p0  }
0x20: {  	[sflag:s8] =	ssyncset.s32 @!p0 $0xFFFFF086;
	s6 =	sadd.s32 @!p0 s3, s7;
	s7 =	simm.s32 @!p0 $0x108  }
0x21: {  	s3 =	sadd.s32 s3, s9;
	s6 =	sadd.s32 @!p0 $0x88, s6;
	s7 =	simm.s32 @p2 $0x1082  }
0x22: {  	[simem:s7], [sflag:s8] =	dma.local @!p0 [hbm:s6], $0xF7A  }
0x23: {  	s9 =	sor.u32 $0xD0000000, s2;
	s6 =	simm.s32 $0x108;
	_ =	swait.ge @!p0 [sflag:s8], $0x0  }
0x24: {  	s3 =	sadd.s32 $0x88, s3;
	s6 =	simm.s32 @!p1 $0x1082;
	[sflag:s4] =	ssyncset.s32 $0xFFFFF086  }
0x25: {  	[simem:s6], [sflag:s4] =	dma.local [hbm:s3], $0xF7A  }
0x26: {  	[smem:$0x3F8E] =	sst s1;
	(tag) =	ssettag s2;
	_ =	strace s9  }
0x27: {  	s1 =	sld [smem:$0x3F9E]  }
0x28: {  	s2 =	sld [smem:$0x3F9F]  }
0x29: {  	s4 =	sld [smem:$0x3FA1]  }
0x2a: {  	p0 =	seq.s32 s5, $0x0;
	s5 =	sld [smem:$0x3FA2]  }
0x2b: {  	s6 =	sld [smem:$0x3FA3]  }
0x2c: {  	s7 =	sld [smem:$0x3FA4]  }
0x2d: {  	s3 =	simm.s32 $0x108;
	s8 =	sld [smem:$0x3FA5]  }
0x2e: {  	s3 =	simm.s32 @!p0 $0x1082;
	s9 =	sld [smem:$0x3FA6]  }
0x2f: {  	lr =	sadd.s32 s0, s3;
	s0 =	sld [smem:$0x3F9D]  }
0x30: {  	s3 =	sld [smem:$0x3FA0]  }
0x31: {  	[smem:$0x3FA9] =	sst s10  }
0x32: {  	s10 =	sld [smem:$0x3FA7];
	_ =	sdelay $0x3  }
0x33: {  	p0 =	seq.s32 s10, $0x1;
	s10 =	sld [smem:$0x3FA9];
	_ =	sdelay $0x3  }
0x34: {  	[smem:$0x3FA9] =	sst s10  }
0x35: {  	s10 =	sld [smem:$0x3FA8];
	_ =	sdelay $0x3  }
0x36: {  	p1 =	seq.s32 s10, $0x1;
	s10 =	sld [smem:$0x3FA9];
	_ =	sdelay $0x3  }
0x37: {  	[smem:$0x3FA9] =	sst s10  }
0x38: {  	s10 =	sld [smem:$0x3FAA]  }
0x39: {  	_ = 	snop;
	(pc) =	sbr.ind lr, $3  }
0x3a: {  	_ = 	snop  }
0x3b: {  	_ = 	snop  }
0x3c: {  	p2 =	seq.s32 s10, $0x1;
	s10 =	sld [smem:$0x3FA9]  }
0x3d: {  	_ =	shalt  }
0x3e: {  	_ =	shalt  }
0x3f: {  	_ =	shalt  }
0x40: {  	_ =	shalt  }
0x41: {  	_ =	shalt  }
0x42: {  	_ =	shalt  }
0x43: {  	_ =	shalt  }
0x44: {  	_ =	shalt  }
0x45: {  	_ =	shalt  }
0x46: {  	_ =	shalt  }
0x47: {  	_ =	shalt  }
0x48: {  	_ =	shalt  }
0x49: {  	_ =	shalt  }
0x4a: {  	_ =	shalt  }
0x4b: {  	_ =	shalt  }
0x4c: {  	_ =	shalt  }
0x4d: {  	_ =	shalt  }
0x4e: {  	_ =	shalt  }
0x4f: {  	_ =	shalt  }
0x50: {  	_ =	shalt  }
0x51: {  	_ =	shalt  }
0x52: {  	_ =	shalt  }
0x53: {  	_ =	shalt  }
0x54: {  	_ =	shalt  }
0x55: {  	_ =	shalt  }
0x56: {  	_ =	shalt  }
0x57: {  	_ =	shalt  }
0x58: {  	_ =	shalt  }
0x59: {  	_ =	shalt  }
0x5a: {  	_ =	shalt  }
0x5b: {  	_ =	shalt  }
0x5c: {  	_ =	shalt  }
0x5d: {  	_ =	shalt  }
0x5e: {  	_ =	shalt  }
0x5f: {  	_ =	shalt  }
0x60: {  	_ =	shalt  }
0x61: {  	_ =	shalt  }
0x62: {  	_ =	shalt  }
0x63: {  	_ =	shalt  }
0x64: {  	_ =	shalt  }
0x65: {  	_ =	shalt  }
0x66: {  	_ =	shalt  }
0x67: {  	_ =	shalt  }
0x68: {  	_ =	shalt  }
0x69: {  	_ =	shalt  }
0x6a: {  	_ =	shalt  }
0x6b: {  	_ =	shalt  }
0x6c: {  	_ =	shalt  }
0x6d: {  	_ =	shalt  }
0x6e: {  	_ =	shalt  }
0x6f: {  	_ =	shalt  }
0x70: {  	_ =	shalt  }
0x71: {  	_ =	shalt  }
0x72: {  	_ =	shalt  }
0x73: {  	_ =	shalt  }
0x74: {  	_ =	shalt  }
0x75: {  	_ =	shalt  }
0x76: {  	_ =	shalt  }
0x77: {  	_ =	shalt  }
0x78: {  	_ =	shalt  }
0x79: {  	_ =	shalt  }
0x7a: {  	_ =	shalt  }
0x7b: {  	_ =	shalt  }
0x7c: {  	_ =	shalt  }
0x7d: {  	_ =	shalt  }
0x7e: {  	_ =	shalt  }
0x7f: {  	_ =	shalt  }
0x80: {  	_ =	shalt  }
0x81: {  	_ =	shalt  }
0x82: {  	_ =	shalt  }
0x83: {  	_ =	shalt  }
0x84: {  	_ =	shalt  }
0x85: {  	_ =	shalt  }
0x86: {  	_ =	shalt  }
0x87: {  	_ =	shalt  }
.Lfunc_end0:
.L_simem_size_0:
called_computation.1_lowered:
.L_overlay_start_0:
0x88: {  	s2 =	sld [smem:$0x3FD9]  }
0x89: {  	s3 =	sld [smem:$0x3FFE];
	_ =	sdelay $0x1  }
0x8a: {  	s1 =	srdreg.scid  }
0x8b: {  	s0 =	sand.u32 $0x1, s1  }
0x8c: {  	s17 =	sshll.u32 s0, $0xA;
	s2 =	sadd.s32 s3, s2  }
0x8d: {  	s2 =	sadd.s32 s2, s17  }
0x8e: {  	[smem:$0x3FB5] =	sst s2  }
0x8f: {  	_ = 	snop  }
0x90: {  	s2 =	sld [smem:$0x3FD0];
	(tm) =	ssettm $0x1  }
0x91: {  	s18 =	sld [smem:$0x3FFB];
	_ =	sdelay $0x3  }
0x92: {  	_ =	strace s18  }
0x93: {  	s3 =	sld [smem:$0x3FFC];
	_ =	sdelay $0x3  }
0x94: {  	_ =	strace s3  }
0x95: {  	s3 =	sld [smem:$0x3FFD];
	_ =	sdelay $0x3  }
0x96: {  	_ =	strace s3  }
0x97: {  	_ =	strace $0x8FFFFFFF  }
0x98: {  	s19 =	sld [smem:$0x3FDB];
	_ =	sdelay $0x1  }
0x99: {  	s4 =	simm.s32 $_scs_section_size  }
0x9a: {  	s5 =	simm.s32 $_size__tile_overlayer_lowered;
	s6 =	simm.s32 $_tile_overlayer_lowered  }
0x9b: {  	s22 =	simm.s32 $0x1BFF;
	s21 =	sshll.u32 s6, $0x1;
	s3 =	sadd.s32 s4, s19  }
0x9c: {  	s7 =	simm.s32 $0x0;
	s20 =	sshll.u32 s5, $0x1;
	s5 =	sadd.s32 s21, s3  }
0x9d: {  	[timem:s7], [sflag:s22] =	dma.local [hbm:s5], s20  }
0x9e: {  	_ =	swait.ge [sflag:s22], s20  }
0x9f: {  	s4 =	ssub.s32 $0x0, s20;
	[sflag:s22] =	ssyncset.done $0x0  }
0xa0: {  	[sflag:s22] =	ssyncadd.s32 s4;
	_ =	sdelay $0x1  }
0xa1: {  	s23 =	simm.s32 $0x1B8B  }
0xa2: {  	_ =	swait.ge [sflag:s23], $0x1  }
0xa3: {  	[sflag:s23] =	ssyncset.done $0x0  }
0xa4: {  	s25 =	simm.s32 $0x1B8E;
	s24 =	sld [smem:$0x3FFE];
	[sflag:s23] =	ssyncadd.s32 $0xFFFFFFFF  }
0xa5: {  	s26 =	simm.s32 $execute0_lowered;
	[smem:$0x3FD2] =	sst s25  }
0xa6: {  	s5 =	sshll.u32 s26, $0x1;
	_ =	strace $0x80000049;
	[dreg:$0x1] =	wrdreg $0xFFFFFFFF  }
0xa7: {  	s28 =	simm.s32 $_size_execute0_lowered;
	s3 =	sadd.s32 s3, s5;
	[dreg:$0x0] =	wrdreg $0x0  }
0xa8: {  	s5 =	sshll.u32 s28, $0x1;
	[dreg:$0x2] =	wrdreg s3  }
0xa9: {  	[dreg:$0x3] =	wrdreg s5  }
0xaa: {  	[dreg:$0x4] =	wrdreg $0xC0  }
0xab: {  	_ =	task [dreg:s7], $0x5FFFF  }
0xac: {  	[dreg:$0x1] =	wrdreg $0xFFFFFFFF  }
0xad: {  	[dreg:$0x0] =	wrdreg $0x60  }
0xae: {  	[dreg:$0x2] =	wrdreg s24  }
0xaf: {  	[dreg:$0x3] =	wrdreg s2  }
0xb0: {  	[dreg:$0x4] =	wrdreg $0x0  }
0xb1: {  	[dreg:$0x5] =	wrdreg $0x9  }
0xb2: {  	_ =	task.clear_ibuf [dreg:s7], $0x6FFFF;
	_ =	strace $0x90000049  }
0xb3: {  	s29 =	simm.s32 $0x9;
	_ =	strace $0x8000004B  }
0xb4: {  	_ =	swait.ge [sflag:s29], $0x1  }
0xb5: {  	[sflag:s29] =	ssyncadd.s32 $0xFFFFFFFF  }
0xb6: {  	_ =	strace $0x9000004B  }
0xb7: {  	_ =	sfence  }
0xb8: {  	s30 =	sld [smem:$0x0];
	_ =	sdelay $0x2  }
0xb9: {  	s31 =	sshll.u32 s1, $0xD;
	s1 =	sshrl.u32 s1, $0x2  }
0xba: {  	s3 =	sand.u32 $0x4000, s31;
	s1 =	sadd.s32 s1, s30  }
0xbb: {  	s0 =	sor.u32 s3, s0;
	s1 =	sshll.u32 s1, $0x11  }
0xbc: {  	s0 =	sor.u32 s1, s0  }
0xbd: {  	s0 =	sadd.s32 $0x8F2B, s0  }
0xbe: {  	[sflag:s0] =	ssyncadd.remote.s32 $0x1  }
0xbf: {  	_ =	sfence.sel $0xFFFF  }
0xc0: {  	[dreg:$0x0] =	wrdreg $0xFFFFFFFF;
	(pc) =	sbr.abs _section_cstart, $3  }
0xc1: {  	[dreg:$0x1] =	wrdreg $0xFFFFFFFF  }
0xc2: {  	_ =	task.clear_ibuf [dreg:s7], $0x2FFFF;
	_ =	strace $0x9FFFFFFF  }
0xc3: {  	(tm) =	ssettm $0x7FFFFFFF  }
tec
execute0_lowered:
.L_overlay_start_1:
0x0: {  	(tag) =	ssettag $0x1  }
0x1: {  	s5 =	rddreg [dreg:$0x0]  }
0x2: {  	s13 =	rddreg [dreg:$0x1]  }
0x3: {  	s2 =	rddreg [dreg:$0x2]  }
0x4: {  	s0 =	rddreg [dreg:$0x3]  }
0x5: {  	s3 =	simm.s32 $0x0;
	s1 =	stileid.u32;
	s8 =	srdreg.scid  }
0x6: {  	s15 =	simm.s32 $0x13880;
	s16 =	simm.s32 $0x13900;
	s6 =	smul.u32 $0x7D, s1  }
0x7: {  	s17 =	simm.s32 $0x1;
	[smem:$0x7FF] =	sst s3;
	s7 =	smul.u32 $0x4E200, s1  }
0x8: {  	s9 =	sshll.u32 s1, $0xC;
	s18 =	sand.u32 $0x1, s8;
	_ =	strace $0x8000004A  }
0x9: {  	s30 =	sadd.s32 s9, s5;
	s8 =	ssub.s32 $0x2, s18;
	p1 =	sne.s32 s18, $0x0  }
0xa: {  	s18 =	simm.s32 $0x0;
	s4 =	sshrl.u32 s6, $0x4;
	s12 =	sadd.s32 s7, s5  }
0xb: {  	s31 =	sshrl.u32 s8, $0x1;
	s6 =	sadd.s32 $0x7D, s6;
	s14 =	smul.u32 $0x500, s4  }
.Ltmp0:
0xc: {  	s8 =	ssub.s32 s8, s31;
	s9 =	sadd.s32 $0x1DCEC00, s12;
	(pc) =	sbr.rel .LBB2_1-.Ltmp0, $4  }
0xd: {  	s12 =	sadd.s32 $0x18ECC00, s12;
	s7 =	smax.u32 s8, $0x1;
	s8 =	smul.u32 $0x50, s4  }
0xe: {  	v0 =	vlaneseq.u32;
	s11 =	sadd.s32 s14, s5;
	s5 =	sshrl.u32 s6, $0x4;
	s6 =	sadd.s32 $0xF18C00, s30  }
0xf: {  	v1 =	vimm.f32 $0.0e+00;
	v2 =	vor.u32 $0x10, v0;
	s13 =	sadd.s32 s14, s13;
	s14 =	simm.s32 $0x50;
	s10 =	ssub.s32 s5, s4  }
0x10: {  	v3 =	vor.u32 $0x20, v0;
	v4 =	vor.u32 $0x30, v0;
	v5 =	vor.u32 $0x40, v0;
	s11 =	sadd.s32 $0xF28C00, s11;
	p0 =	sle.u32 s5, s4;
	p2 =	sgt.u32 s5, s4  }
.LBB2_19:
0x11: {  	_ =	swait.ge [sflag:s17], $0x2800  }
0x12: {  	[sflag:s17] =	ssyncset.done $0x0  }
0x13: {  	[sflag:s17] =	ssyncadd.s32 $0xFFFFD800  }
.LBB2_20:
0x14: {  	s18 =	sadd.s32 $0x1, s18  }
0x15: {  	p3 =	sne.s32 s18, s7  }
.Ltmp1:
0x16: {  	_ = 	snop;
	(pc) =	sbr.rel @!p3 .LBB2_21-.Ltmp1, $1  }
0x17: {  	_ =	sdelay $0x3  }
.LBB2_1:
0x18: {  	s19 =	simm.s32 $0x0;
	s20 =	simm.s32 $0x200  }
.LBB2_2:
0x19: {  	p3 =	sne.s32 s20, $0x9E00;
	[tilespmem:s19+$0x13970] =	vst v1  }
0x1a: {  	[tilespmem:s19+$0x13900] =	vst v1  }
0x1b: {  	[tilespmem:s19+$0x13910] =	vst v1  }
.Ltmp2:
0x1c: {  	[tilespmem:s19+$0x13920] =	vst v1;
	(pc) =	sbr.rel @p3 .LBB2_2-.Ltmp2, $4  }
0x1d: {  	[tilespmem:s19+$0x13930] =	vst v1  }
0x1e: {  	[tilespmem:s19+$0x13940] =	vst v1  }
0x1f: {  	[tilespmem:s19+$0x13950] =	vst v1  }
0x20: {  	[tilespmem:s19+$0x13960] =	vst v1;
	s19 =	sshra.s32 s20, $0x2;
	s20 =	sadd.s32 $0x200, s20  }
0x21: {  	[tilespmem:s19+$0x13970] =	vst v1  }
0x22: {  	[tilespmem:s19+$0x13900] =	vst v1  }
0x23: {  	[tilespmem:s19+$0x13910] =	vst v1  }
.Ltmp3:
0x24: {  	[tilespmem:s19+$0x13920] =	vst v1;
	(pc) =	sbr.rel @p0 .LBB2_7-.Ltmp3, $4  }
0x25: {  	[tilespmem:s19+$0x13930] =	vst v1  }
0x26: {  	[tilespmem:s19+$0x13940] =	vst v1  }
0x27: {  	[tilespmem:s19+$0x13950] =	vst v1  }
0x28: {  	[tilespmem:s19+$0x13960] =	vst v1  }
0x29: {  	v6 =	vor.u32 s8, v0  }
0x2a: {  	v7 =	vadd.s32 s8, v4;
	p3 =	sne.s32 s10, $0x1;
	[tilespmem:$0x13880] =	vst v6  }
.Ltmp4:
0x2b: {  	v6 =	vadd.s32 s8, v5;
	[tilespmem:$0x138B0] =	vst v7;
	(pc) =	sbr.rel @!p3 .LBB2_6-.Ltmp4, $4  }
0x2c: {  	v7 =	vadd.s32 s8, v2;
	[tilespmem:$0x138C0] =	vst v6  }
0x2d: {  	v6 =	vadd.s32 s8, v3;
	[tilespmem:$0x13890] =	vst v7  }
0x2e: {  	s19 =	sadd.s32 $0xFFFFFFFF, s10;
	s20 =	smov.u32 s8;
	[tilespmem:$0x138A0] =	vst v6  }
0x2f: {  	[spmem:s2] =	stream.indirect.scatter [tilespmem:s16], [sflag:$0x1], $0x80, s15, s14, $0xb8;
	[tilespmem:$0x16100] =	vst v63  }
.LBB2_5:
0x30: {  	p3 =	sne.s32 s19, $0x1;
	_ =	swait.ge [sflag:s17], $0x2800  }
0x31: {  	s20 =	sadd.s32 $0x50, s20;
	[sflag:s17] =	ssyncset.done $0x0  }
0x32: {  	v6 =	vor.u32 s20, v0;
	[sflag:s17] =	ssyncadd.s32 $0xFFFFD800  }
0x33: {  	[tilespmem:$0x13880] =	vst v6;
	v6 =	vadd.s32 s20, v5  }
.Ltmp5:
0x34: {  	v7 =	vadd.s32 s20, v4;
	[tilespmem:$0x138C0] =	vst v6;
	(pc) =	sbr.rel @p3 .LBB2_5-.Ltmp5, $4  }
0x35: {  	v6 =	vadd.s32 s20, v3;
	[tilespmem:$0x138B0] =	vst v7  }
0x36: {  	v7 =	vadd.s32 s20, v2;
	[tilespmem:$0x138A0] =	vst v6  }
0x37: {  	[tilespmem:$0x13890] =	vst v7;
	[spmem:s2] =	stream.indirect.scatter [tilespmem:s16], [sflag:$0x1], $0x80, s15, s14, $0xb8  }
0x38: {  	s19 =	sadd.s32 $0xFFFFFFFF, s19  }
.LBB2_6:
0x39: {  	_ =	swait.ge [sflag:s17], $0x2800  }
0x3a: {  	[sflag:s17] =	ssyncset.done $0x0  }
0x3b: {  	[sflag:s17] =	ssyncadd.s32 $0xFFFFD800  }
.LBB2_7:
.Ltmp6:
0x3c: {  	(pc) =	sbr.rel @p1 .LBB2_14-.Ltmp6, $2  }
0x3d: {  	_ =	sdelay $0x1  }
0x3e: {  	[bflag:$0x0] =	sbarrier.arrive $0xFFFF;
	_ =	sdelay $0x1  }
0x3f: {  	[tilespmem:s16], [sflag:$0x1] =	stream.linear.gather [hbm4b:s12+s3], $0x2800, $0x38;
	[tilespmem:$0x16100] =	vst v63  }
0x40: {  	_ =	swait.ge [sflag:s17], $0x2800  }
0x41: {  	[sflag:s17] =	ssyncset.done $0x0  }
0x42: {  	s19 =	sadd.s32 $0x0, s6;
	[sflag:s17] =	ssyncadd.s32 $0xFFFFD800  }
0x43: {  	[tilespmem:s15], [sflag:$0x1] =	stream.linear.gather [hbm4b:s19+s3], $0x80, $0x38;
	[tilespmem:$0x16100] =	vst v63  }
0x44: {  	_ =	swait.ge [sflag:s17], $0x80  }
0x45: {  	[sflag:s17] =	ssyncset.done $0x0  }
0x46: {  	[sflag:s17] =	ssyncadd.s32 $0xFFFFFF80  }
0x47: {  	[spmem:s2] =	stream.indirect.scatter.add.f32 [tilespmem:s16], [sflag:$0x1], $0x80, s15, s14, $0xb8;
	[tilespmem:$0x16100] =	vst v63  }
0x48: {  	_ =	swait.ge [sflag:s17], $0x2800  }
0x49: {  	s20 =	smov.u32 s12;
	s19 =	simm.s32 $0x10;
	[sflag:s17] =	ssyncset.done $0x0  }
.LBB2_9:
0x4a: {  	p3 =	seq.s32 s19, $0xF90;
	[sflag:s17] =	ssyncadd.s32 $0xFFFFD800;
	s20 =	sadd.s32 $0x500, s20  }
0x4b: {  	[tilespmem:s16], [sflag:$0x1] =	stream.linear.gather [hbm4b:s20+s3], $0x2800, $0x38;
	[tilespmem:$0x16100] =	vst v63  }
0x4c: {  	s21 =	smov.u32 s19;
	s19 =	sadd.s32 $0x10, s19;
	_ =	swait.ge [sflag:s17], $0x2800  }
0x4d: {  	[sflag:s17] =	ssyncset.done $0x0  }
0x4e: {  	s21 =	sadd.s32 s21, s6;
	[sflag:s17] =	ssyncadd.s32 $0xFFFFD800  }
0x4f: {  	[tilespmem:s15], [sflag:$0x1] =	stream.linear.gather [hbm4b:s21+s3], $0x80, $0x38;
	[tilespmem:$0x16100] =	vst v63  }
0x50: {  	_ =	swait.ge [sflag:s17], $0x80  }
.Ltmp7:
0x51: {  	[sflag:s17] =	ssyncset.done $0x0;
	(pc) =	sbr.rel @!p3 .LBB2_9-.Ltmp7, $4  }
0x52: {  	[sflag:s17] =	ssyncadd.s32 $0xFFFFFF80  }
0x53: {  	[spmem:s2] =	stream.indirect.scatter.add.f32 [tilespmem:s16], [sflag:$0x1], $0x80, s15, s14, $0xb8;
	[tilespmem:$0x16100] =	vst v63  }
0x54: {  	_ =	swait.ge [sflag:s17], $0x2800  }
0x55: {  	[sflag:s17] =	ssyncset.done $0x0  }
.Ltmp8:
0x56: {  	(pc) =	sbr.rel @p0 .LBB2_20-.Ltmp8, $3  }
0x57: {  	_ = 	snop  }
0x58: {  	[sflag:s17] =	ssyncadd.s32 $0xFFFFD800  }
0x59: {  	[bflag:$0x0] =	sbarrier.arrive $0xFFFF;
	_ =	sdelay $0x1  }
0x5a: {  	v6 =	vor.u32 s8, v0  }
0x5b: {  	v7 =	vadd.s32 s8, v4;
	[tilespmem:$0x13880] =	vst v6  }
0x5c: {  	v6 =	vadd.s32 s8, v5;
	[tilespmem:$0x138B0] =	vst v7  }
0x5d: {  	v7 =	vadd.s32 s8, v2;
	[tilespmem:$0x138C0] =	vst v6  }
0x5e: {  	v6 =	vadd.s32 s8, v3;
	[tilespmem:$0x13890] =	vst v7  }
0x5f: {  	p3 =	seq.s32 s10, $0x1;
	[tilespmem:$0x138A0] =	vst v6  }
0x60: {  	[tilespmem:s16], [sflag:$0x1] =	stream.indirect.gather [spmem:s2], $0x80, s15, s14, $0xb8;
	[tilespmem:$0x16100] =	vst v63  }
.Ltmp9:
0x61: {  	_ = 	snop;
	(pc) =	sbr.rel @p3 .LBB2_13-.Ltmp9, $4  }
0x62: {  	_ =	swait.ge [sflag:s17], $0x2800  }
0x63: {  	s19 =	sadd.s32 $0xFFFFFFFF, s10;
	[sflag:s17] =	ssyncset.done $0x0  }
0x64: {  	s20 =	smov.u32 s13;
	s21 =	smov.u32 s8;
	[sflag:s17] =	ssyncadd.s32 $0xFFFFD800  }
0x65: {  	[hbm4b:s13+s3] =	stream.linear.scatter [tilespmem:s16], [sflag:$0x1], $0x2800, $0x38;
	[tilespmem:$0x16100] =	vst v63  }
.LBB2_12:
0x66: {  	_ =	swait.ge [sflag:s17], $0x2800;
	s20 =	sadd.s32 $0x500, s20;
	s21 =	sadd.s32 $0x50, s21  }
0x67: {  	p3 =	seq.s32 s19, $0x1;
	s19 =	sadd.s32 $0xFFFFFFFF, s19;
	[sflag:s17] =	ssyncset.done $0x0  }
0x68: {  	v6 =	vor.u32 s21, v0;
	[sflag:s17] =	ssyncadd.s32 $0xFFFFD800  }
0x69: {  	[tilespmem:$0x13880] =	vst v6;
	v6 =	vadd.s32 s21, v5  }
0x6a: {  	v7 =	vadd.s32 s21, v2;
	v8 =	vadd.s32 s21, v3;
	v9 =	vadd.s32 s21, v4;
	[tilespmem:$0x138C0] =	vst v6  }
0x6b: {  	[tilespmem:$0x138B0] =	vst v9  }
0x6c: {  	[tilespmem:$0x138A0] =	vst v8  }
0x6d: {  	[tilespmem:$0x13890] =	vst v7  }
0x6e: {  	[tilespmem:s16], [sflag:$0x1] =	stream.indirect.gather [spmem:s2], $0x80, s15, s14, $0xb8;
	[tilespmem:$0x16100] =	vst v63  }
.Ltmp10:
0x6f: {  	_ = 	snop;
	(pc) =	sbr.rel @!p3 .LBB2_12-.Ltmp10, $4  }
0x70: {  	_ =	swait.ge [sflag:s17], $0x2800  }
0x71: {  	[sflag:s17] =	ssyncset.done $0x0  }
0x72: {  	[sflag:s17] =	ssyncadd.s32 $0xFFFFD800  }
0x73: {  	[hbm4b:s20+s3] =	stream.linear.scatter [tilespmem:s16], [sflag:$0x1], $0x2800, $0x38;
	[tilespmem:$0x16100] =	vst v63  }
.LBB2_13:
.Ltmp11:
0x74: {  	(pc) =	sbr.rel .LBB2_20-.Ltmp11, $4  }
0x75: {  	_ = 	snop  }
0x76: {  	_ =	swait.ge [sflag:s17], $0x2800  }
0x77: {  	[sflag:s17] =	ssyncset.done $0x0  }
0x78: {  	[sflag:s17] =	ssyncadd.s32 $0xFFFFD800  }
.LBB2_14:
0x79: {  	[tilespmem:s16], [sflag:$0x1] =	stream.linear.gather [hbm4b:s9+s3], $0x2800, $0x38;
	[tilespmem:$0x16100] =	vst v63  }
0x7a: {  	_ =	swait.ge [sflag:s17], $0x2800  }
0x7b: {  	[sflag:s17] =	ssyncset.done $0x0  }
0x7c: {  	s19 =	sadd.s32 $0x0, s6;
	[sflag:s17] =	ssyncadd.s32 $0xFFFFD800  }
0x7d: {  	[tilespmem:s15], [sflag:$0x1] =	stream.linear.gather [hbm4b:s19+s3], $0x80, $0x38;
	[tilespmem:$0x16100] =	vst v63  }
0x7e: {  	_ =	swait.ge [sflag:s17], $0x80  }
0x7f: {  	[sflag:s17] =	ssyncset.done $0x0  }
0x80: {  	[sflag:s17] =	ssyncadd.s32 $0xFFFFFF80  }
0x81: {  	[spmem:s2] =	stream.indirect.scatter.add.f32 [tilespmem:s16], [sflag:$0x1], $0x80, s15, s14, $0xb8;
	[tilespmem:$0x16100] =	vst v63  }
0x82: {  	_ =	swait.ge [sflag:s17], $0x2800  }
0x83: {  	s20 =	smov.u32 s9;
	s19 =	simm.s32 $0x10;
	[sflag:s17] =	ssyncset.done $0x0  }
.LBB2_15:
0x84: {  	p3 =	sne.s32 s19, $0xF90;
	[sflag:s17] =	ssyncadd.s32 $0xFFFFD800;
	s20 =	sadd.s32 $0x500, s20  }
0x85: {  	[tilespmem:s16], [sflag:$0x1] =	stream.linear.gather [hbm4b:s20+s3], $0x2800, $0x38;
	[tilespmem:$0x16100] =	vst v63  }
0x86: {  	s21 =	smov.u32 s19;
	s19 =	sadd.s32 $0x10, s19;
	_ =	swait.ge [sflag:s17], $0x2800  }
0x87: {  	[sflag:s17] =	ssyncset.done $0x0  }
0x88: {  	s21 =	sadd.s32 s21, s6;
	[sflag:s17] =	ssyncadd.s32 $0xFFFFD800  }
0x89: {  	[tilespmem:s15], [sflag:$0x1] =	stream.linear.gather [hbm4b:s21+s3], $0x80, $0x38;
	[tilespmem:$0x16100] =	vst v63  }
0x8a: {  	_ =	swait.ge [sflag:s17], $0x80  }
.Ltmp12:
0x8b: {  	[sflag:s17] =	ssyncset.done $0x0;
	(pc) =	sbr.rel @p3 .LBB2_15-.Ltmp12, $4  }
0x8c: {  	[sflag:s17] =	ssyncadd.s32 $0xFFFFFF80  }
0x8d: {  	[spmem:s2] =	stream.indirect.scatter.add.f32 [tilespmem:s16], [sflag:$0x1], $0x80, s15, s14, $0xb8;
	[tilespmem:$0x16100] =	vst v63  }
0x8e: {  	_ =	swait.ge [sflag:s17], $0x2800  }
0x8f: {  	[sflag:s17] =	ssyncset.done $0x0  }
.Ltmp13:
0x90: {  	(pc) =	sbr.rel @!p2 .LBB2_20-.Ltmp13, $3  }
0x91: {  	_ = 	snop  }
0x92: {  	[sflag:s17] =	ssyncadd.s32 $0xFFFFD800  }
0x93: {  	[bflag:$0x0] =	sbarrier.arrive $0xFFFF;
	_ =	sdelay $0x1  }
0x94: {  	v6 =	vor.u32 s8, v0  }
0x95: {  	v7 =	vadd.s32 s8, v4;
	[tilespmem:$0x13880] =	vst v6  }
0x96: {  	v6 =	vadd.s32 s8, v5;
	[tilespmem:$0x138B0] =	vst v7  }
0x97: {  	v7 =	vadd.s32 s8, v2;
	[tilespmem:$0x138C0] =	vst v6  }
0x98: {  	s19 =	sadd.s32 $0x1, s4;
	v6 =	vadd.s32 s8, v3;
	[tilespmem:$0x13890] =	vst v7  }
0x99: {  	p3 =	slt.u32 s19, s5;
	[tilespmem:$0x138A0] =	vst v6  }
0x9a: {  	[tilespmem:s16], [sflag:$0x1] =	stream.indirect.gather [spmem:s2], $0x80, s15, s14, $0xb8;
	[tilespmem:$0x16100] =	vst v63  }
.Ltmp14:
0x9b: {  	_ = 	snop;
	(pc) =	sbr.rel @!p3 .LBB2_19-.Ltmp14, $4  }
0x9c: {  	_ =	swait.ge [sflag:s17], $0x2800  }
0x9d: {  	[sflag:s17] =	ssyncset.done $0x0  }
0x9e: {  	s20 =	sadd.s32 $0x50, s8;
	s21 =	smov.u32 s11;
	[sflag:s17] =	ssyncadd.s32 $0xFFFFD800  }
0x9f: {  	[hbm4b:s11+s3] =	stream.linear.scatter [tilespmem:s16], [sflag:$0x1], $0x2800, $0x38;
	[tilespmem:$0x16100] =	vst v63  }
.LBB2_18:
0xa0: {  	s19 =	sadd.s32 $0x1, s19;
	_ =	swait.ge [sflag:s17], $0x2800;
	s21 =	sadd.s32 $0x500, s21  }
0xa1: {  	p3 =	slt.u32 s19, s5;
	[sflag:s17] =	ssyncset.done $0x0  }
0xa2: {  	v6 =	vor.u32 s20, v0;
	[sflag:s17] =	ssyncadd.s32 $0xFFFFD800  }
0xa3: {  	[tilespmem:$0x13880] =	vst v6;
	v6 =	vadd.s32 s20, v5  }
0xa4: {  	v7 =	vadd.s32 s20, v2;
	v8 =	vadd.s32 s20, v3;
	v9 =	vadd.s32 s20, v4;
	[tilespmem:$0x138C0] =	vst v6  }
0xa5: {  	[tilespmem:$0x138B0] =	vst v9  }
0xa6: {  	[tilespmem:$0x138A0] =	vst v8  }
0xa7: {  	[tilespmem:$0x13890] =	vst v7  }
0xa8: {  	[tilespmem:s16], [sflag:$0x1] =	stream.indirect.gather [spmem:s2], $0x80, s15, s14, $0xb8;
	[tilespmem:$0x16100] =	vst v63  }
.Ltmp15:
0xa9: {  	_ = 	snop;
	(pc) =	sbr.rel @p3 .LBB2_18-.Ltmp15, $4  }
0xaa: {  	_ =	swait.ge [sflag:s17], $0x2800  }
0xab: {  	[sflag:s17] =	ssyncset.done $0x0  }
0xac: {  	s20 =	sadd.s32 $0x50, s20;
	[sflag:s17] =	ssyncadd.s32 $0xFFFFD800  }
0xad: {  	[hbm4b:s21+s3] =	stream.linear.scatter [tilespmem:s16], [sflag:$0x1], $0x2800, $0x38;
	[tilespmem:$0x16100] =	vst v63  }
.Ltmp16:
0xae: {  	_ = 	snop;
	(pc) =	sbr.rel .LBB2_19-.Ltmp16, $1  }
0xaf: {  	_ =	sdelay $0x3  }
.LBB2_21:
0xb0: {  	_ =	sfence.sel $0x180000  }
0xb1: {  	[bflag:$0x0] =	sbarrier.arrive $0xFFFF  }
0xb2: {  	p0 =	sne.s32 s1, $0x0;
	_ =	strace $0x9000004A  }
0xb3: {  	s0 =	sadd.s32 @!p0 $0x100000, s0;
	[bflag:$0x2] =	sbarrier.arrive $0xFFFF  }
0xb4: {  	[sflag:s0] =	ssyncadd.tile.s32 @!p0 $0x1;
	_ =	shalt  }
.Lfunc_end2:
_tile_overlayer_lowered:
.L_overlay_start_2:
0xb5: {  	(tag) =	ssettag $0x2  }
0xb6: {  	s0 =	rddreg [dreg:$0x0];
	s2 =	stileid.u32  }
0xb7: {  	s1 =	rddreg [dreg:$0x1];
	p0 =	sne.s32 s2, $0x0  }
0xb8: {  	s3 =	rddreg [dreg:$0x2];
	[bflag:$0x3] =	sbarrier.arrive $0xFFFF;
	s2 =	simm.s32 @!p0 $0x1C01  }
0xb9: {  	[timem:s3], [sflag:s2] =	dma.local @!p0 [hbm:s0], s1  }
0xba: {  	s0 =	simm.s32 @!p0 $0x1  }
0xbb: {  	_ =	swait.ge @!p0 [sflag:s0], s1  }
0xbc: {  	s1 =	ssub.s32 @!p0 $0x0, s1;
	[sflag:s0] =	ssyncset.done @!p0 $0x0  }
0xbd: {  	[sflag:s0] =	ssyncadd.s32 @!p0 s1  }
0xbe: {  	[bflag:$0x3] =	sbarrier.arrive $0xFFFF  }
0xbf: {  	_ =	shalt  }

// kernel: kernel.15.cloned.1.call-start
scs
__scs_entry_jumppad:
0x0: {  	(pc) =	sbr.rel $0x88, $3  }
0x1: {  	(tag) =	ssettag $0x0;
	lr =	simm.s32 $0x1  }
0x2: {  	[smem:$0x3F8E] =	sst lr;
	_ =	strace $0xD0000000  }
0x3: {  	_ = 	snop  }
0x4: {  	_ = 	snop  }
0x5: {  	_ = 	snop  }
0x6: {  	_ = 	snop  }
0x7: {  	_ = 	snop  }
__scs_overlays_trampoline_lowered:
0x8: {  	[smem:$0x3F9D] =	sst s0  }
0x9: {  	[smem:$0x3F9E] =	sst s1  }
0xa: {  	[smem:$0x3F9F] =	sst s2  }
0xb: {  	[smem:$0x3FA0] =	sst s3  }
0xc: {  	[smem:$0x3FA1] =	sst s4  }
0xd: {  	[smem:$0x3FA2] =	sst s5  }
0xe: {  	[smem:$0x3FA3] =	sst s6  }
0xf: {  	[smem:$0x3FA4] =	sst s7  }
0x10: {  	[smem:$0x3FA5] =	sst s8  }
0x11: {  	[smem:$0x3FA6] =	sst s9;
	s0 =	simm.s32 @!p0 $0x0  }
0x12: {  	s1 =	sld [smem:$0x3F8C];
	s0 =	simm.s32 @p0 $0x1  }
0x13: {  	[smem:$0x3FA7] =	sst s0;
	s0 =	simm.s32 @!p1 $0x0  }
0x14: {  	s2 =	sld [smem:$0x3F8B];
	s0 =	simm.s32 @p1 $0x1  }
0x15: {  	[smem:$0x3FA8] =	sst s0;
	s0 =	simm.s32 @!p2 $0x0  }
0x16: {  	s3 =	sld [smem:$0x3FDB];
	s0 =	simm.s32 @p2 $0x1  }
0x17: {  	s4 =	simm.s32 $0x1BF5;
	[smem:$0x3FAA] =	sst s0  }
0x18: {  	s0 =	sld [smem:$0x3F8D];
	_ =	swait.ge [sflag:s4], $0x0  }
0x19: {  	s7 =	sld [smem:$0x3F8E]  }
0x1a: {  	s8 =	sadd.s32 $0xFFFFE003, lr  }
0x1b: {  	s9 =	sadd.s32 $0xFFFFFEF7, lr;
	s5 =	simm.s32 $0xFFFFFFFF;
	p2 =	slt.u32 s8, $0xFFFFF086  }
0x1c: {  	p1 =	slt.u32 s9, $0xF7A;
	s5 =	simm.s32 @!p2 $0x0  }
0x1d: {  	s5 =	simm.s32 @p1 $0x1;
	p0 =	seq.s32 s7, s2  }
0x1e: {  	s7 =	smul.u32 @!p0 $0xF7A, s2;
	p2 =	seq.s32 @!p0 s5, $0x0  }
0x1f: {  	s9 =	smul.u32 $0xF7A, s1;
	s8 =	simm.s32 @!p0 $0x1BF5;
	p2 =	por !p2, p0  }
0x20: {  	[sflag:s8] =	ssyncset.s32 @!p0 $0xFFFFF086;
	s6 =	sadd.s32 @!p0 s3, s7;
	s7 =	simm.s32 @!p0 $0x108  }
0x21: {  	s3 =	sadd.s32 s3, s9;
	s6 =	sadd.s32 @!p0 $0x88, s6;
	s7 =	simm.s32 @p2 $0x1082  }
0x22: {  	[simem:s7], [sflag:s8] =	dma.local @!p0 [hbm:s6], $0xF7A  }
0x23: {  	s9 =	sor.u32 $0xD0000000, s2;
	s6 =	simm.s32 $0x108;
	_ =	swait.ge @!p0 [sflag:s8], $0x0  }
0x24: {  	s3 =	sadd.s32 $0x88, s3;
	s6 =	simm.s32 @!p1 $0x1082;
	[sflag:s4] =	ssyncset.s32 $0xFFFFF086  }
0x25: {  	[simem:s6], [sflag:s4] =	dma.local [hbm:s3], $0xF7A  }
0x26: {  	[smem:$0x3F8E] =	sst s1;
	(tag) =	ssettag s2;
	_ =	strace s9  }
0x27: {  	s1 =	sld [smem:$0x3F9E]  }
0x28: {  	s2 =	sld [smem:$0x3F9F]  }
0x29: {  	s4 =	sld [smem:$0x3FA1]  }
0x2a: {  	p0 =	seq.s32 s5, $0x0;
	s5 =	sld [smem:$0x3FA2]  }
0x2b: {  	s6 =	sld [smem:$0x3FA3]  }
0x2c: {  	s7 =	sld [smem:$0x3FA4]  }
0x2d: {  	s3 =	simm.s32 $0x108;
	s8 =	sld [smem:$0x3FA5]  }
0x2e: {  	s3 =	simm.s32 @!p0 $0x1082;
	s9 =	sld [smem:$0x3FA6]  }
0x2f: {  	lr =	sadd.s32 s0, s3;
	s0 =	sld [smem:$0x3F9D]  }
0x30: {  	s3 =	sld [smem:$0x3FA0]  }
0x31: {  	[smem:$0x3FA9] =	sst s10  }
0x32: {  	s10 =	sld [smem:$0x3FA7];
	_ =	sdelay $0x3  }
0x33: {  	p0 =	seq.s32 s10, $0x1;
	s10 =	sld [smem:$0x3FA9];
	_ =	sdelay $0x3  }
0x34: {  	[smem:$0x3FA9] =	sst s10  }
0x35: {  	s10 =	sld [smem:$0x3FA8];
	_ =	sdelay $0x3  }
0x36: {  	p1 =	seq.s32 s10, $0x1;
	s10 =	sld [smem:$0x3FA9];
	_ =	sdelay $0x3  }
0x37: {  	[smem:$0x3FA9] =	sst s10  }
0x38: {  	s10 =	sld [smem:$0x3FAA]  }
0x39: {  	_ = 	snop;
	(pc) =	sbr.ind lr, $3  }
0x3a: {  	_ = 	snop  }
0x3b: {  	_ = 	snop  }
0x3c: {  	p2 =	seq.s32 s10, $0x1;
	s10 =	sld [smem:$0x3FA9]  }
0x3d: {  	_ =	shalt  }
0x3e: {  	_ =	shalt  }
0x3f: {  	_ =	shalt  }
0x40: {  	_ =	shalt  }
0x41: {  	_ =	shalt  }
0x42: {  	_ =	shalt  }
0x43: {  	_ =	shalt  }
0x44: {  	_ =	shalt  }
0x45: {  	_ =	shalt  }
0x46: {  	_ =	shalt  }
0x47: {  	_ =	shalt  }
0x48: {  	_ =	shalt  }
0x49: {  	_ =	shalt  }
0x4a: {  	_ =	shalt  }
0x4b: {  	_ =	shalt  }
0x4c: {  	_ =	shalt  }
0x4d: {  	_ =	shalt  }
0x4e: {  	_ =	shalt  }
0x4f: {  	_ =	shalt  }
0x50: {  	_ =	shalt  }
0x51: {  	_ =	shalt  }
0x52: {  	_ =	shalt  }
0x53: {  	_ =	shalt  }
0x54: {  	_ =	shalt  }
0x55: {  	_ =	shalt  }
0x56: {  	_ =	shalt  }
0x57: {  	_ =	shalt  }
0x58: {  	_ =	shalt  }
0x59: {  	_ =	shalt  }
0x5a: {  	_ =	shalt  }
0x5b: {  	_ =	shalt  }
0x5c: {  	_ =	shalt  }
0x5d: {  	_ =	shalt  }
0x5e: {  	_ =	shalt  }
0x5f: {  	_ =	shalt  }
0x60: {  	_ =	shalt  }
0x61: {  	_ =	shalt  }
0x62: {  	_ =	shalt  }
0x63: {  	_ =	shalt  }
0x64: {  	_ =	shalt  }
0x65: {  	_ =	shalt  }
0x66: {  	_ =	shalt  }
0x67: {  	_ =	shalt  }
0x68: {  	_ =	shalt  }
0x69: {  	_ =	shalt  }
0x6a: {  	_ =	shalt  }
0x6b: {  	_ =	shalt  }
0x6c: {  	_ =	shalt  }
0x6d: {  	_ =	shalt  }
0x6e: {  	_ =	shalt  }
0x6f: {  	_ =	shalt  }
0x70: {  	_ =	shalt  }
0x71: {  	_ =	shalt  }
0x72: {  	_ =	shalt  }
0x73: {  	_ =	shalt  }
0x74: {  	_ =	shalt  }
0x75: {  	_ =	shalt  }
0x76: {  	_ =	shalt  }
0x77: {  	_ =	shalt  }
0x78: {  	_ =	shalt  }
0x79: {  	_ =	shalt  }
0x7a: {  	_ =	shalt  }
0x7b: {  	_ =	shalt  }
0x7c: {  	_ =	shalt  }
0x7d: {  	_ =	shalt  }
0x7e: {  	_ =	shalt  }
0x7f: {  	_ =	shalt  }
0x80: {  	_ =	shalt  }
0x81: {  	_ =	shalt  }
0x82: {  	_ =	shalt  }
0x83: {  	_ =	shalt  }
0x84: {  	_ =	shalt  }
0x85: {  	_ =	shalt  }
0x86: {  	_ =	shalt  }
0x87: {  	_ =	shalt  }
.Lfunc_end0:
.L_simem_size_0:
called_computation.2_lowered:
.L_overlay_start_0:
0x88: {  	s2 =	sld [smem:$0x3FD9]  }
0x89: {  	s3 =	sld [smem:$0x3FFE];
	_ =	sdelay $0x1  }
0x8a: {  	s1 =	srdreg.scid  }
0x8b: {  	s0 =	sand.u32 $0x1, s1  }
0x8c: {  	s17 =	sshll.u32 s0, $0xA;
	s2 =	sadd.s32 s3, s2  }
0x8d: {  	s2 =	sadd.s32 s2, s17  }
0x8e: {  	[smem:$0x3FB5] =	sst s2  }
0x8f: {  	_ = 	snop  }
0x90: {  	s2 =	sld [smem:$0x3FD0];
	(tm) =	ssettm $0x1  }
0x91: {  	s18 =	sld [smem:$0x3FFB];
	_ =	sdelay $0x3  }
0x92: {  	_ =	strace s18  }
0x93: {  	s3 =	sld [smem:$0x3FFC];
	_ =	sdelay $0x3  }
0x94: {  	_ =	strace s3  }
0x95: {  	s3 =	sld [smem:$0x3FFD];
	_ =	sdelay $0x3  }
0x96: {  	_ =	strace s3  }
0x97: {  	_ =	strace $0x8FFFFFFF  }
0x98: {  	s19 =	sld [smem:$0x3FDB];
	_ =	sdelay $0x1  }
0x99: {  	s4 =	simm.s32 $_scs_section_size  }
0x9a: {  	s5 =	simm.s32 $_size__tile_overlayer_lowered;
	s6 =	simm.s32 $_tile_overlayer_lowered  }
0x9b: {  	s22 =	simm.s32 $0x1BFF;
	s21 =	sshll.u32 s6, $0x1;
	s3 =	sadd.s32 s4, s19  }
0x9c: {  	s7 =	simm.s32 $0x0;
	s20 =	sshll.u32 s5, $0x1;
	s5 =	sadd.s32 s21, s3  }
0x9d: {  	[timem:s7], [sflag:s22] =	dma.local [hbm:s5], s20  }
0x9e: {  	_ =	swait.ge [sflag:s22], s20  }
0x9f: {  	s4 =	ssub.s32 $0x0, s20;
	[sflag:s22] =	ssyncset.done $0x0  }
0xa0: {  	[sflag:s22] =	ssyncadd.s32 s4;
	_ =	sdelay $0x1  }
0xa1: {  	s23 =	simm.s32 $0x1B8B  }
0xa2: {  	_ =	swait.ge [sflag:s23], $0x1  }
0xa3: {  	[sflag:s23] =	ssyncset.done $0x0  }
0xa4: {  	s25 =	simm.s32 $0x1B8E;
	s24 =	sld [smem:$0x3FFE];
	[sflag:s23] =	ssyncadd.s32 $0xFFFFFFFF  }
0xa5: {  	s26 =	simm.s32 $execute0_lowered;
	[smem:$0x3FD2] =	sst s25  }
0xa6: {  	s5 =	sshll.u32 s26, $0x1;
	_ =	strace $0x8000004C;
	[dreg:$0x1] =	wrdreg $0xFFFFFFFF  }
0xa7: {  	s28 =	simm.s32 $_size_execute0_lowered;
	s3 =	sadd.s32 s3, s5;
	[dreg:$0x0] =	wrdreg $0x0  }
0xa8: {  	s5 =	sshll.u32 s28, $0x1;
	[dreg:$0x2] =	wrdreg s3  }
0xa9: {  	[dreg:$0x3] =	wrdreg s5  }
0xaa: {  	[dreg:$0x4] =	wrdreg $0xC0  }
0xab: {  	_ =	task [dreg:s7], $0x5FFFF  }
0xac: {  	[dreg:$0x1] =	wrdreg $0xFFFFFFFF  }
0xad: {  	[dreg:$0x0] =	wrdreg $0x60  }
0xae: {  	[dreg:$0x2] =	wrdreg s2  }
0xaf: {  	[dreg:$0x3] =	wrdreg s24  }
0xb0: {  	[dreg:$0x4] =	wrdreg $0x9  }
0xb1: {  	_ =	task.clear_ibuf [dreg:s7], $0x5FFFF;
	_ =	strace $0x9000004C  }
0xb2: {  	s29 =	simm.s32 $0x9;
	_ =	strace $0x8000004E  }
0xb3: {  	_ =	swait.ge [sflag:s29], $0x1  }
0xb4: {  	[sflag:s29] =	ssyncadd.s32 $0xFFFFFFFF  }
0xb5: {  	_ =	strace $0x9000004E  }
0xb6: {  	_ =	sfence  }
0xb7: {  	s30 =	sld [smem:$0x0];
	_ =	sdelay $0x2  }
0xb8: {  	s31 =	sshll.u32 s1, $0xD;
	s1 =	sshrl.u32 s1, $0x2  }
0xb9: {  	s3 =	sand.u32 $0x4000, s31;
	s1 =	sadd.s32 s1, s30  }
0xba: {  	s0 =	sor.u32 s3, s0;
	s1 =	sshll.u32 s1, $0x11  }
0xbb: {  	s0 =	sor.u32 s1, s0  }
0xbc: {  	s0 =	sadd.s32 $0x8F2B, s0  }
0xbd: {  	[sflag:s0] =	ssyncadd.remote.s32 $0x1  }
0xbe: {  	_ =	sfence.sel $0xFFFF  }
0xbf: {  	[dreg:$0x0] =	wrdreg $0xFFFFFFFF;
	(pc) =	sbr.abs _section_cstart, $3  }
0xc0: {  	[dreg:$0x1] =	wrdreg $0xFFFFFFFF  }
0xc1: {  	_ =	task.clear_ibuf [dreg:s7], $0x2FFFF;
	_ =	strace $0x9FFFFFFF  }
0xc2: {  	(tm) =	ssettm $0x7FFFFFFF  }
0xc3: {  	_ =	shalt  }
tec
execute0_lowered:
.L_overlay_start_1:
0x0: {  	(tag) =	ssettag $0x1  }
0x1: {  	s1 =	rddreg [dreg:$0x0]  }
0x2: {  	s4 =	rddreg [dreg:$0x1]  }
0x3: {  	s0 =	rddreg [dreg:$0x2]  }
0x4: {  	s3 =	simm.s32 $0x0;
	s5 =	srdreg.scid;
	s2 =	stileid.u32  }
0x5: {  	s9 =	simm.s32 $0x3;
	s10 =	simm.s32 $0x4000;
	s11 =	simm.s32 $0x50  }
0x6: {  	s12 =	simm.s32 $0x8000;
	s13 =	simm.s32 $0xA800;
	s14 =	simm.s32 $0x1  }
0x7: {  	s15 =	simm.s32 $0x2;
	s16 =	simm.s32 $0x0;
	[smem:$0x7FF] =	sst s3  }
0x8: {  	s5 =	sand.u32 $0x1, s5;
	s6 =	sshll.u32 s2, $0xC;
	s8 =	smul.u32 $0x4E200, s2  }
0x9: {  	_ =	strace $0x8000004D;
	s7 =	sshll.u32 s5, $0xB;
	s30 =	ssub.s32 $0x2, s5  }
0xa: {  	s5 =	smul.u32 $0x27100, s5;
	s6 =	sor.u32 s7, s6;
	s31 =	sshrl.u32 s30, $0x1  }
0xb: {  	s8 =	sadd.s32 s8, s4;
	s6 =	sadd.s32 s6, s4;
	s7 =	ssub.s32 s30, s31  }
0xc: {  	s8 =	sadd.s32 s5, s8;
	s4 =	sadd.s32 $0x14800, s6;
	s5 =	sadd.s32 $0x4800, s6  }
0xd: {  	s6 =	smax.u32 s7, $0x1;
	s7 =	sadd.s32 $0x24800, s8;
	s8 =	sadd.s32 $0x506800, s8  }
.LBB2_1:
0xe: {  	[tilespmem:s3], [sflag:$0x3] =	stream.linear.gather [hbm4b:s4+s3], $0x3E80, $0x38;
	[tilespmem:$0xD000] =	vst v63  }
0xf: {  	_ =	swait.ge [sflag:s9], $0x3E80  }
0x10: {  	[sflag:s9] =	ssyncset.done $0x0  }
0x11: {  	[sflag:s9] =	ssyncadd.s32 $0xFFFFC180  }
0x12: {  	[tilespmem:s10], [sflag:$0x3] =	stream.linear.gather [hbm4b:s5+s3], $0x3E80, $0x38;
	[tilespmem:$0xD000] =	vst v63  }
0x13: {  	_ =	swait.ge [sflag:s9], $0x3E80  }
0x14: {  	[sflag:s9] =	ssyncset.done $0x0  }
0x15: {  	s17 =	simm.s32 $0x0;
	[sflag:s9] =	ssyncadd.s32 $0xFFFFC180  }
0x16: {  	[tilespmem:s12], [sflag:$0x1] =	stream.indirect.gather [hbm4b:s1+s11], $0x80, s17, s11, $0xb8;
	[tilespmem:$0xD000] =	vst v63  }
0x17: {  	s31 =	simm.s32 $0x4000  }
0x18: {  	[tilespmem:s13], [sflag:$0x2] =	stream.indirect.gather [hbm4b:s1+s11], $0x80, s31, s11, $0xb8;
	[tilespmem:$0xD000] =	vst v63  }
0x19: {  	_ =	swait.ge [sflag:s14], $0x2800  }
0x1a: {  	[sflag:s14] =	ssyncset.done $0x0  }
0x1b: {  	[sflag:s14] =	ssyncadd.s32 $0xFFFFD800  }
0x1c: {  	_ =	swait.ge [sflag:s15], $0x2800  }
0x1d: {  	[sflag:s15] =	ssyncset.done $0x0  }
0x1e: {  	[sflag:s15] =	ssyncadd.s32 $0xFFFFD800  }
0x1f: {  	[hbm4b:s7+s3] =	stream.linear.scatter [tilespmem:s12], [sflag:$0x3], $0x2800, $0x38;
	[tilespmem:$0xD000] =	vst v63  }
0x20: {  	_ =	swait.ge [sflag:s9], $0x2800  }
0x21: {  	[sflag:s9] =	ssyncset.done $0x0  }
0x22: {  	[sflag:s9] =	ssyncadd.s32 $0xFFFFD800  }
0x23: {  	[hbm4b:s8+s3] =	stream.linear.scatter [tilespmem:s13], [sflag:$0x3], $0x2800, $0x38;
	[tilespmem:$0xD000] =	vst v63  }
0x24: {  	s19 =	simm.s32 $0x200;
	s20 =	simm.s32 $0x400;
	_ =	swait.ge [sflag:s9], $0x2800  }
0x25: {  	s18 =	sadd.s32 $0x500, s7;
	s17 =	sadd.s32 $0x500, s8;
	[sflag:s9] =	ssyncset.done $0x0  }
.LBB2_2:
0x26: {  	s21 =	sshra.s32 s19, $0x2  }
0x27: {  	[sflag:s9] =	ssyncadd.s32 $0xFFFFD800;
	s19 =	smov.u32 s20;
	s22 =	sadd.s32 $0x200, s20  }
0x28: {  	[tilespmem:s12], [sflag:$0x1] =	stream.indirect.gather [hbm4b:s1+s11], $0x80, s21, s11, $0xb8;
	[tilespmem:$0xD000] =	vst v63  }
0x29: {  	p0 =	sne.s32 s20, $0xF800;
	s20 =	sadd.s32 $0x4000, s21  }
0x2a: {  	[tilespmem:s13], [sflag:$0x2] =	stream.indirect.gather [hbm4b:s1+s11], $0x80, s20, s11, $0xb8;
	[tilespmem:$0xD000] =	vst v63  }
0x2b: {  	_ =	swait.ge [sflag:s14], $0x2800  }
0x2c: {  	[sflag:s14] =	ssyncset.done $0x0  }
0x2d: {  	[sflag:s14] =	ssyncadd.s32 $0xFFFFD800  }
0x2e: {  	_ =	swait.ge [sflag:s15], $0x2800  }
0x2f: {  	[sflag:s15] =	ssyncset.done $0x0  }
0x30: {  	[sflag:s15] =	ssyncadd.s32 $0xFFFFD800  }
0x31: {  	[hbm4b:s18+s3] =	stream.linear.scatter [tilespmem:s12], [sflag:$0x3], $0x2800, $0x38;
	[tilespmem:$0xD000] =	vst v63  }
0x32: {  	_ =	swait.ge [sflag:s9], $0x2800  }
.Ltmp0:
0x33: {  	[sflag:s9] =	ssyncset.done $0x0;
	(pc) =	sbr.rel @p0 .LBB2_2-.Ltmp0, $4  }
0x34: {  	[sflag:s9] =	ssyncadd.s32 $0xFFFFD800  }
0x35: {  	[hbm4b:s17+s3] =	stream.linear.scatter [tilespmem:s13], [sflag:$0x3], $0x2800, $0x38;
	[tilespmem:$0xD000] =	vst v63  }
0x36: {  	s20 =	smov.u32 s22;
	_ =	swait.ge [sflag:s9], $0x2800  }
0x37: {  	s18 =	sadd.s32 $0x500, s18;
	s17 =	sadd.s32 $0x500, s17;
	[sflag:s9] =	ssyncset.done $0x0  }
0x38: {  	s19 =	sshra.s32 s19, $0x2;
	[sflag:s9] =	ssyncadd.s32 $0xFFFFD800  }
0x39: {  	[tilespmem:s12], [sflag:$0x1] =	stream.indirect.gather [hbm4b:s1+s11], $0x80, s19, s11, $0xb8;
	[tilespmem:$0xD000] =	vst v63  }
0x3a: {  	s19 =	sadd.s32 $0x4000, s19  }
0x3b: {  	[tilespmem:s13], [sflag:$0x2] =	stream.indirect.gather [hbm4b:s1+s11], $0x80, s19, s11, $0xb8;
	[tilespmem:$0xD000] =	vst v63  }
0x3c: {  	_ =	swait.ge [sflag:s14], $0x2800  }
0x3d: {  	[sflag:s14] =	ssyncset.done $0x0  }
0x3e: {  	[sflag:s14] =	ssyncadd.s32 $0xFFFFD800  }
0x3f: {  	_ =	swait.ge [sflag:s15], $0x2800  }
0x40: {  	[sflag:s15] =	ssyncset.done $0x0  }
0x41: {  	[sflag:s15] =	ssyncadd.s32 $0xFFFFD800  }
0x42: {  	[hbm4b:s18+s3] =	stream.linear.scatter [tilespmem:s12], [sflag:$0x3], $0x2800, $0x38;
	[tilespmem:$0xD000] =	vst v63  }
0x43: {  	s16 =	sadd.s32 $0x1, s16;
	_ =	swait.ge [sflag:s9], $0x2800  }
0x44: {  	p0 =	sne.s32 s16, s6;
	[sflag:s9] =	ssyncset.done $0x0  }
.Ltmp1:
0x45: {  	[sflag:s9] =	ssyncadd.s32 $0xFFFFD800;
	(pc) =	sbr.rel @p0 .LBB2_1-.Ltmp1, $4  }
0x46: {  	[hbm4b:s17+s3] =	stream.linear.scatter [tilespmem:s13], [sflag:$0x3], $0x2800, $0x38;
	[tilespmem:$0xD000] =	vst v63  }
0x47: {  	_ =	swait.ge [sflag:s9], $0x2800  }
0x48: {  	[sflag:s9] =	ssyncset.done $0x0  }
0x49: {  	[sflag:s9] =	ssyncadd.s32 $0xFFFFD800  }
0x4a: {  	_ =	sfence.sel $0x180000  }
0x4b: {  	[bflag:$0x0] =	sbarrier.arrive $0xFFFF  }
0x4c: {  	p0 =	sne.s32 s2, $0x0;
	_ =	strace $0x9000004D  }
0x4d: {  	s0 =	sadd.s32 @!p0 $0x100000, s0;
	[bflag:$0x2] =	sbarrier.arrive $0xFFFF  }
0x4e: {  	[sflag:s0] =	ssyncadd.tile.s32 @!p0 $0x1;
	_ =	shalt  }
.Lfunc_end2:
_tile_overlayer_lowered:
.L_overlay_start_2:
0x4f: {  	(tag) =	ssettag $0x2  }
0x50: {  	s0 =	rddreg [dreg:$0x0];
	s2 =	stileid.u32  }
0x51: {  	s1 =	rddreg [dreg:$0x1];
	p0 =	sne.s32 s2, $0x0  }
0x52: {  	s3 =	rddreg [dreg:$0x2];
	[bflag:$0x3] =	sbarrier.arrive $0xFFFF;
	s2 =	simm.s32 @!p0 $0x1C03  }
0x53: {  	[timem:s3], [sflag:s2] =	dma.local @!p0 [hbm:s0], s1  }
0x54: {  	s0 =	simm.s32 @!p0 $0x3  }
0x55: {  	_ =	swait.ge @!p0 [sflag:s0], s1  }
0x56: {  	s1 =	ssub.s32 @!p0 $0x0, s1;
	[sflag:s0] =	ssyncset.done @!p0 $0x0  }
0x57: {  	[sflag:s0] =	ssyncadd.s32 @!p0 s1  }
0x58: {  	[bflag:$0x3] =	sbarrier.arrive $0xFFFF  }
0x59: {  	_ =	shalt  }

// kernel: kernel.9.cloned.1.call-start
scs
__scs_entry_jumppad:
0x0: {  	(pc) =	sbr.rel $0x88, $3  }
0x1: {  	(tag) =	ssettag $0x0;
	lr =	simm.s32 $0x1  }
0x2: {  	[smem:$0x3F8E] =	sst lr;
	_ =	strace $0xD0000000  }
0x3: {  	_ = 	snop  }
0x4: {  	_ = 	snop  }
0x5: {  	_ = 	snop  }
0x6: {  	_ = 	snop  }
0x7: {  	_ = 	snop  }
__scs_overlays_trampoline_lowered:
0x8: {  	[smem:$0x3F9D] =	sst s0  }
0x9: {  	[smem:$0x3F9E] =	sst s1  }
0xa: {  	[smem:$0x3F9F] =	sst s2  }
0xb: {  	[smem:$0x3FA0] =	sst s3  }
0xc: {  	[smem:$0x3FA1] =	sst s4  }
0xd: {  	[smem:$0x3FA2] =	sst s5  }
0xe: {  	[smem:$0x3FA3] =	sst s6  }
0xf: {  	[smem:$0x3FA4] =	sst s7  }
0x10: {  	[smem:$0x3FA5] =	sst s8  }
0x11: {  	[smem:$0x3FA6] =	sst s9;
	s0 =	simm.s32 @!p0 $0x0  }
0x12: {  	s1 =	sld [smem:$0x3F8C];
	s0 =	simm.s32 @p0 $0x1  }
0x13: {  	[smem:$0x3FA7] =	sst s0;
	s0 =	simm.s32 @!p1 $0x0  }
0x14: {  	s2 =	sld [smem:$0x3F8B];
	s0 =	simm.s32 @p1 $0x1  }
0x15: {  	[smem:$0x3FA8] =	sst s0;
	s0 =	simm.s32 @!p2 $0x0  }
0x16: {  	s3 =	sld [smem:$0x3FDB];
	s0 =	simm.s32 @p2 $0x1  }
0x17: {  	s4 =	simm.s32 $0x1BF5;
	[smem:$0x3FAA] =	sst s0  }
0x18: {  	s0 =	sld [smem:$0x3F8D];
	_ =	swait.ge [sflag:s4], $0x0  }
0x19: {  	s7 =	sld [smem:$0x3F8E]  }
0x1a: {  	s8 =	sadd.s32 $0xFFFFE003, lr  }
0x1b: {  	s9 =	sadd.s32 $0xFFFFFEF7, lr;
	s5 =	simm.s32 $0xFFFFFFFF;
	p2 =	slt.u32 s8, $0xFFFFF086  }
0x1c: {  	p1 =	slt.u32 s9, $0xF7A;
	s5 =	simm.s32 @!p2 $0x0  }
0x1d: {  	s5 =	simm.s32 @p1 $0x1;
	p0 =	seq.s32 s7, s2  }
0x1e: {  	s7 =	smul.u32 @!p0 $0xF7A, s2;
	p2 =	seq.s32 @!p0 s5, $0x0  }
0x1f: {  	s9 =	smul.u32 $0xF7A, s1;
	s8 =	simm.s32 @!p0 $0x1BF5;
	p2 =	por !p2, p0  }
0x20: {  	[sflag:s8] =	ssyncset.s32 @!p0 $0xFFFFF086;
	s6 =	sadd.s32 @!p0 s3, s7;
	s7 =	simm.s32 @!p0 $0x108  }
0x21: {  	s3 =	sadd.s32 s3, s9;
	s6 =	sadd.s32 @!p0 $0x88, s6;
	s7 =	simm.s32 @p2 $0x1082  }
0x22: {  	[simem:s7], [sflag:s8] =	dma.local @!p0 [hbm:s6], $0xF7A  }
0x23: {  	s9 =	sor.u32 $0xD0000000, s2;
	s6 =	simm.s32 $0x108;
	_ =	swait.ge @!p0 [sflag:s8], $0x0  }
0x24: {  	s3 =	sadd.s32 $0x88, s3;
	s6 =	simm.s32 @!p1 $0x1082;
	[sflag:s4] =	ssyncset.s32 $0xFFFFF086  }
0x25: {  	[simem:s6], [sflag:s4] =	dma.local [hbm:s3], $0xF7A  }
0x26: {  	[smem:$0x3F8E] =	sst s1;
	(tag) =	ssettag s2;
	_ =	strace s9  }
0x27: {  	s1 =	sld [smem:$0x3F9E]  }
0x28: {  	s2 =	sld [smem:$0x3F9F]  }
0x29: {  	s4 =	sld [smem:$0x3FA1]  }
0x2a: {  	p0 =	seq.s32 s5, $0x0;
	s5 =	sld [smem:$0x3FA2]  }
0x2b: {  	s6 =	sld [smem:$0x3FA3]  }
0x2c: {  	s7 =	sld [smem:$0x3FA4]  }
0x2d: {  	s3 =	simm.s32 $0x108;
	s8 =	sld [smem:$0x3FA5]  }
0x2e: {  	s3 =	simm.s32 @!p0 $0x1082;
	s9 =	sld [smem:$0x3FA6]  }
0x2f: {  	lr =	sadd.s32 s0, s3;
	s0 =	sld [smem:$0x3F9D]  }
0x30: {  	s3 =	sld [smem:$0x3FA0]  }
0x31: {  	[smem:$0x3FA9] =	sst s10  }
0x32: {  	s10 =	sld [smem:$0x3FA7];
	_ =	sdelay $0x3  }
0x33: {  	p0 =	seq.s32 s10, $0x1;
	s10 =	sld [smem:$0x3FA9];
	_ =	sdelay $0x3  }
0x34: {  	[smem:$0x3FA9] =	sst s10  }
0x35: {  	s10 =	sld [smem:$0x3FA8];
	_ =	sdelay $0x3  }
0x36: {  	p1 =	seq.s32 s10, $0x1;
	s10 =	sld [smem:$0x3FA9];
	_ =	sdelay $0x3  }
0x37: {  	[smem:$0x3FA9] =	sst s10  }
0x38: {  	s10 =	sld [smem:$0x3FAA]  }
0x39: {  	_ = 	snop;
	(pc) =	sbr.ind lr, $3  }
0x3a: {  	_ = 	snop  }
0x3b: {  	_ = 	snop  }
0x3c: {  	p2 =	seq.s32 s10, $0x1;
	s10 =	sld [smem:$0x3FA9]  }
0x3d: {  	_ =	shalt  }
0x3e: {  	_ =	shalt  }
0x3f: {  	_ =	shalt  }
0x40: {  	_ =	shalt  }
0x41: {  	_ =	shalt  }
0x42: {  	_ =	shalt  }
0x43: {  	_ =	shalt  }
0x44: {  	_ =	shalt  }
0x45: {  	_ =	shalt  }
0x46: {  	_ =	shalt  }
0x47: {  	_ =	shalt  }
0x48: {  	_ =	shalt  }
0x49: {  	_ =	shalt  }
0x4a: {  	_ =	shalt  }
0x4b: {  	_ =	shalt  }
0x4c: {  	_ =	shalt  }
0x4d: {  	_ =	shalt  }
0x4e: {  	_ =	shalt  }
0x4f: {  	_ =	shalt  }
0x50: {  	_ =	shalt  }
0x51: {  	_ =	shalt  }
0x52: {  	_ =	shalt  }
0x53: {  	_ =	shalt  }
0x54: {  	_ =	shalt  }
0x55: {  	_ =	shalt  }
0x56: {  	_ =	shalt  }
0x57: {  	_ =	shalt  }
0x58: {  	_ =	shalt  }
0x59: {  	_ =	shalt  }
0x5a: {  	_ =	shalt  }
0x5b: {  	_ =	shalt  }
0x5c: {  	_ =	shalt  }
0x5d: {  	_ =	shalt  }
0x5e: {  	_ =	shalt  }
0x5f: {  	_ =	shalt  }
0x60: {  	_ =	shalt  }
0x61: {  	_ =	shalt  }
0x62: {  	_ =	shalt  }
0x63: {  	_ =	shalt  }
0x64: {  	_ =	shalt  }
0x65: {  	_ =	shalt  }
0x66: {  	_ =	shalt  }
0x67: {  	_ =	shalt  }
0x68: {  	_ =	shalt  }
0x69: {  	_ =	shalt  }
0x6a: {  	_ =	shalt  }
0x6b: {  	_ =	shalt  }
0x6c: {  	_ =	shalt  }
0x6d: {  	_ =	shalt  }
0x6e: {  	_ =	shalt  }
0x6f: {  	_ =	shalt  }
0x70: {  	_ =	shalt  }
0x71: {  	_ =	shalt  }
0x72: {  	_ =	shalt  }
0x73: {  	_ =	shalt  }
0x74: {  	_ =	shalt  }
0x75: {  	_ =	shalt  }
0x76: {  	_ =	shalt  }
0x77: {  	_ =	shalt  }
0x78: {  	_ =	shalt  }
0x79: {  	_ =	shalt  }
0x7a: {  	_ =	shalt  }
0x7b: {  	_ =	shalt  }
0x7c: {  	_ =	shalt  }
0x7d: {  	_ =	shalt  }
0x7e: {  	_ =	shalt  }
0x7f: {  	_ =	shalt  }
0x80: {  	_ =	shalt  }
0x81: {  	_ =	shalt  }
0x82: {  	_ =	shalt  }
0x83: {  	_ =	shalt  }
0x84: {  	_ =	shalt  }
0x85: {  	_ =	shalt  }
0x86: {  	_ =	shalt  }
0x87: {  	_ =	shalt  }
.Lfunc_end0:
.L_simem_size_0:
called_computation_lowered:
.L_overlay_start_0:
0x88: {  	s2 =	sld [smem:$0x3FD9]  }
0x89: {  	s3 =	sld [smem:$0x3FFE];
	_ =	sdelay $0x1  }
0x8a: {  	s1 =	srdreg.scid  }
0x8b: {  	s0 =	sand.u32 $0x1, s1  }
0x8c: {  	s17 =	sshll.u32 s0, $0xA;
	s2 =	sadd.s32 s3, s2  }
0x8d: {  	s2 =	sadd.s32 s2, s17  }
0x8e: {  	[smem:$0x3FB5] =	sst s2  }
0x8f: {  	_ = 	snop  }
0x90: {  	s2 =	sld [smem:$0x3FD0];
	(tm) =	ssettm $0x1  }
0x91: {  	s18 =	sld [smem:$0x3FFB];
	_ =	sdelay $0x3  }
0x92: {  	_ =	strace s18  }
0x93: {  	s3 =	sld [smem:$0x3FFC];
	_ =	sdelay $0x3  }
0x94: {  	_ =	strace s3  }
0x95: {  	s3 =	sld [smem:$0x3FFD];
	_ =	sdelay $0x3  }
0x96: {  	_ =	strace s3  }
0x97: {  	_ =	strace $0x8FFFFFFF  }
0x98: {  	s19 =	sld [smem:$0x3FDB];
	_ =	sdelay $0x1  }
0x99: {  	s4 =	simm.s32 $_scs_section_size  }
0x9a: {  	s5 =	simm.s32 $_size__tile_overlayer_lowered;
	s6 =	simm.s32 $_tile_overlayer_lowered  }
0x9b: {  	s22 =	simm.s32 $0x1BFF;
	s21 =	sshll.u32 s6, $0x1;
	s3 =	sadd.s32 s4, s19  }
0x9c: {  	s7 =	simm.s32 $0x0;
	s20 =	sshll.u32 s5, $0x1;
	s5 =	sadd.s32 s21, s3  }
0x9d: {  	[timem:s7], [sflag:s22] =	dma.local [hbm:s5], s20  }
0x9e: {  	_ =	swait.ge [sflag:s22], s20  }
0x9f: {  	s4 =	ssub.s32 $0x0, s20;
	[sflag:s22] =	ssyncset.done $0x0  }
0xa0: {  	[sflag:s22] =	ssyncadd.s32 s4;
	_ =	sdelay $0x1  }
0xa1: {  	s23 =	simm.s32 $0x1B8B  }
0xa2: {  	_ =	swait.ge [sflag:s23], $0x1  }
0xa3: {  	[sflag:s23] =	ssyncset.done $0x0  }
0xa4: {  	s25 =	simm.s32 $0x1B8E;
	s24 =	sld [smem:$0x3FFE];
	[sflag:s23] =	ssyncadd.s32 $0xFFFFFFFF  }
0xa5: {  	s26 =	simm.s32 $execute0_lowered;
	[smem:$0x3FD2] =	sst s25  }
0xa6: {  	s5 =	sshll.u32 s26, $0x1;
	_ =	strace $0x80000046;
	[dreg:$0x1] =	wrdreg $0xFFFFFFFF  }
0xa7: {  	s28 =	simm.s32 $_size_execute0_lowered;
	s3 =	sadd.s32 s3, s5;
	[dreg:$0x0] =	wrdreg $0x0  }
0xa8: {  	s5 =	sshll.u32 s28, $0x1;
	[dreg:$0x2] =	wrdreg s3  }
0xa9: {  	[dreg:$0x3] =	wrdreg s5  }
0xaa: {  	[dreg:$0x4] =	wrdreg $0xC0  }
0xab: {  	_ =	task [dreg:s7], $0x5FFFF  }
0xac: {  	[dreg:$0x1] =	wrdreg $0xFFFFFFFF  }
0xad: {  	[dreg:$0x0] =	wrdreg $0x60  }
0xae: {  	[dreg:$0x2] =	wrdreg s2  }
0xaf: {  	[dreg:$0x3] =	wrdreg s24  }
0xb0: {  	[dreg:$0x4] =	wrdreg $0x9  }
0xb1: {  	_ =	task.clear_ibuf [dreg:s7], $0x5FFFF;
	_ =	strace $0x90000046  }
0xb2: {  	s29 =	simm.s32 $0x9;
	_ =	strace $0x80000048  }
0xb3: {  	_ =	swait.ge [sflag:s29], $0x1  }
0xb4: {  	[sflag:s29] =	ssyncadd.s32 $0xFFFFFFFF  }
0xb5: {  	_ =	strace $0x90000048  }
0xb6: {  	_ =	sfence  }
0xb7: {  	s30 =	sld [smem:$0x0];
	_ =	sdelay $0x2  }
0xb8: {  	s31 =	sshll.u32 s1, $0xD;
	s1 =	sshrl.u32 s1, $0x2  }
0xb9: {  	s3 =	sand.u32 $0x4000, s31;
	s1 =	sadd.s32 s1, s30  }
0xba: {  	s0 =	sor.u32 s3, s0;
	s1 =	sshll.u32 s1, $0x11  }
0xbb: {  	s0 =	sor.u32 s1, s0  }
0xbc: {  	s0 =	sadd.s32 $0x8F2B, s0  }
0xbd: {  	[sflag:s0] =	ssyncadd.remote.s32 $0x1  }
0xbe: {  	_ =	sfence.sel $0xFFFF  }
0xbf: {  	[dreg:$0x0] =	wrdreg $0xFFFFFFFF;
	(pc) =	sbr.abs _section_cstart, $3  }
0xc0: {  	[dreg:$0x1] =	wrdreg $0xFFFFFFFF  }
0xc1: {  	_ =	task.clear_ibuf [dreg:s7], $0x2FFFF;
	_ =	strace $0x9FFFFFFF  }
0xc2: {  	(tm) =	ssettm $0x7FFFFFFF  }
0xc3: {  	_ =	shalt  }
tec
execute0_lowered:
.L_overlay_start_1:
0x0: {  	(tag) =	ssettag $0x1  }
0x1: {  	s1 =	rddreg [dreg:$0x0]  }
0x2: {  	s6 =	rddreg [dreg:$0x1]  }
0x3: {  	s0 =	rddreg [dreg:$0x2];
	s2 =	simm.s32 $0x0  }
0x4: {  	s7 =	srdreg.scid;
	s3 =	stileid.u32;
	s12 =	simm.s32 $0x4  }
0x5: {  	s13 =	simm.s32 $0x50;
	s14 =	simm.s32 $0x8000;
	s15 =	simm.s32 $0xA800  }
0x6: {  	s16 =	simm.s32 $0xD000;
	s17 =	simm.s32 $0x1;
	s18 =	simm.s32 $0x2  }
0x7: {  	s19 =	simm.s32 $0x3;
	s20 =	simm.s32 $0x0;
	[smem:$0x7FF] =	sst s2  }
0x8: {  	s4 =	sadd.s32 $0x24800, s6;
	s5 =	sadd.s32 $0x4BA00, s6;
	s7 =	sand.u32 $0x1, s7  }
0x9: {  	s8 =	sshll.u32 s3, $0xC;
	s9 =	smul.u32 $0x4E200, s3;
	_ =	strace $0x80000047  }
0xa: {  	s10 =	sshll.u32 s7, $0xB;
	s11 =	ssub.s32 $0x2, s7;
	s7 =	smul.u32 $0x27100, s7  }
0xb: {  	s8 =	sor.u32 s10, s8;
	s9 =	sadd.s32 s9, s6;
	s30 =	sshrl.u32 s11, $0x1  }
0xc: {  	s8 =	sadd.s32 s8, s6;
	s10 =	ssub.s32 s11, s30;
	s31 =	sadd.s32 s7, s9  }
0xd: {  	s6 =	sadd.s32 $0x14800, s8;
	s7 =	sadd.s32 $0x4800, s8;
	s8 =	sadd.s32 $0x72C00, s31  }
0xe: {  	s9 =	smax.u32 s10, $0x1;
	s10 =	sadd.s32 $0x554C00, s31;
	s11 =	sadd.s32 $0xA36C00, s31  }
.LBB2_1:
0xf: {  	[tilespmem:s2], [sflag:$0x4] =	stream.linear.gather [hbm4b:s6+s2], $0x3E80, $0x38;
	[tilespmem:$0xF800] =	vst v63  }
0x10: {  	_ =	swait.ge [sflag:s12], $0x3E80  }
0x11: {  	[sflag:s12] =	ssyncset.done $0x0  }
0x12: {  	s21 =	simm.s32 $0x4000;
	[sflag:s12] =	ssyncadd.s32 $0xFFFFC180  }
0x13: {  	[tilespmem:s21], [sflag:$0x4] =	stream.linear.gather [hbm4b:s7+s2], $0x3E80, $0x38;
	[tilespmem:$0xF800] =	vst v63  }
0x14: {  	_ =	swait.ge [sflag:s12], $0x3E80  }
0x15: {  	[sflag:s12] =	ssyncset.done $0x0  }
0x16: {  	[sflag:s12] =	ssyncadd.s32 $0xFFFFC180  }
0x17: {  	[tilespmem:s14], [sflag:$0x1] =	stream.indirect.gather [hbm4b:s1+s13], $0x80, s2, s13, $0xb8;
	[tilespmem:$0xF800] =	vst v63  }
0x18: {  	_ = 	snop  }
0x19: {  	[tilespmem:s15], [sflag:$0x2] =	stream.indirect.gather [hbm4b:s4+s13], $0x80, s21, s13, $0xb8;
	[tilespmem:$0xF800] =	vst v63  }
0x1a: {  	_ = 	snop  }
0x1b: {  	[tilespmem:s16], [sflag:$0x3] =	stream.indirect.gather [hbm4b:s5+s13], $0x80, s2, s13, $0xb8;
	[tilespmem:$0xF800] =	vst v63  }
0x1c: {  	_ =	swait.ge [sflag:s17], $0x2800  }
0x1d: {  	[sflag:s17] =	ssyncset.done $0x0  }
0x1e: {  	[sflag:s17] =	ssyncadd.s32 $0xFFFFD800  }
0x1f: {  	_ =	swait.ge [sflag:s18], $0x2800  }
0x20: {  	[sflag:s18] =	ssyncset.done $0x0  }
0x21: {  	[sflag:s18] =	ssyncadd.s32 $0xFFFFD800  }
0x22: {  	_ =	swait.ge [sflag:s19], $0x2800  }
0x23: {  	[sflag:s19] =	ssyncset.done $0x0  }
0x24: {  	s22 =	sadd.s32 $0x0, s8;
	[sflag:s19] =	ssyncadd.s32 $0xFFFFD800  }
0x25: {  	[hbm4b:s22+s2] =	stream.linear.scatter [tilespmem:s14], [sflag:$0x4], $0x2800, $0x38;
	[tilespmem:$0xF800] =	vst v63  }
0x26: {  	_ =	swait.ge [sflag:s12], $0x2800  }
0x27: {  	[sflag:s12] =	ssyncset.done $0x0  }
0x28: {  	s30 =	sadd.s32 $0x0, s10;
	[sflag:s12] =	ssyncadd.s32 $0xFFFFD800  }
0x29: {  	[hbm4b:s30+s2] =	stream.linear.scatter [tilespmem:s15], [sflag:$0x4], $0x2800, $0x38;
	[tilespmem:$0xF800] =	vst v63  }
0x2a: {  	_ =	swait.ge [sflag:s12], $0x2800  }
0x2b: {  	[sflag:s12] =	ssyncset.done $0x0  }
0x2c: {  	s31 =	sadd.s32 $0x0, s11;
	[sflag:s12] =	ssyncadd.s32 $0xFFFFD800  }
0x2d: {  	[hbm4b:s31+s2] =	stream.linear.scatter [tilespmem:s16], [sflag:$0x4], $0x2800, $0x38;
	[tilespmem:$0xF800] =	vst v63  }
0x2e: {  	_ =	swait.ge [sflag:s12], $0x2800  }
0x2f: {  	s23 =	simm.s32 $0x0;
	s22 =	simm.s32 $0x500;
	[sflag:s12] =	ssyncset.done $0x0  }
.LBB2_2:
0x30: {  	[sflag:s12] =	ssyncadd.s32 $0xFFFFD800;
	s23 =	sadd.s32 $0x80, s23;
	s21 =	sadd.s32 $0x80, s21  }
0x31: {  	[tilespmem:s14], [sflag:$0x1] =	stream.indirect.gather [hbm4b:s1+s13], $0x80, s23, s13, $0xb8;
	[tilespmem:$0xF800] =	vst v63  }
0x32: {  	p0 =	sne.s32 s22, $0x26C00;
	s24 =	smov.u32 s22;
	s22 =	sadd.s32 $0x500, s22  }
0x33: {  	[tilespmem:s15], [sflag:$0x2] =	stream.indirect.gather [hbm4b:s4+s13], $0x80, s21, s13, $0xb8;
	[tilespmem:$0xF800] =	vst v63  }
0x34: {  	_ = 	snop  }
0x35: {  	[tilespmem:s16], [sflag:$0x3] =	stream.indirect.gather [hbm4b:s5+s13], $0x80, s23, s13, $0xb8;
	[tilespmem:$0xF800] =	vst v63  }
0x36: {  	_ =	swait.ge [sflag:s17], $0x2800  }
0x37: {  	[sflag:s17] =	ssyncset.done $0x0  }
0x38: {  	[sflag:s17] =	ssyncadd.s32 $0xFFFFD800  }
0x39: {  	_ =	swait.ge [sflag:s18], $0x2800  }
0x3a: {  	[sflag:s18] =	ssyncset.done $0x0  }
0x3b: {  	[sflag:s18] =	ssyncadd.s32 $0xFFFFD800  }
0x3c: {  	_ =	swait.ge [sflag:s19], $0x2800  }
0x3d: {  	[sflag:s19] =	ssyncset.done $0x0  }
0x3e: {  	s25 =	sadd.s32 s24, s8;
	[sflag:s19] =	ssyncadd.s32 $0xFFFFD800  }
0x3f: {  	[hbm4b:s25+s2] =	stream.linear.scatter [tilespmem:s14], [sflag:$0x4], $0x2800, $0x38;
	[tilespmem:$0xF800] =	vst v63  }
0x40: {  	_ =	swait.ge [sflag:s12], $0x2800  }
0x41: {  	[sflag:s12] =	ssyncset.done $0x0  }
0x42: {  	s25 =	sadd.s32 s24, s10;
	[sflag:s12] =	ssyncadd.s32 $0xFFFFD800  }
0x43: {  	[hbm4b:s25+s2] =	stream.linear.scatter [tilespmem:s15], [sflag:$0x4], $0x2800, $0x38;
	[tilespmem:$0xF800] =	vst v63  }
0x44: {  	_ =	swait.ge [sflag:s12], $0x2800  }
.Ltmp0:
0x45: {  	[sflag:s12] =	ssyncset.done $0x0;
	(pc) =	sbr.rel @p0 .LBB2_2-.Ltmp0, $4  }
0x46: {  	s24 =	sadd.s32 s24, s11;
	[sflag:s12] =	ssyncadd.s32 $0xFFFFD800  }
0x47: {  	[hbm4b:s24+s2] =	stream.linear.scatter [tilespmem:s16], [sflag:$0x4], $0x2800, $0x38;
	[tilespmem:$0xF800] =	vst v63  }
0x48: {  	_ =	swait.ge [sflag:s12], $0x2800  }
0x49: {  	[sflag:s12] =	ssyncset.done $0x0  }
0x4a: {  	s20 =	sadd.s32 $0x1, s20  }
0x4b: {  	p0 =	sne.s32 s20, s9  }
.Ltmp1:
0x4c: {  	_ = 	snop;
	(pc) =	sbr.rel @p0 .LBB2_1-.Ltmp1, $2  }
0x4d: {  	_ =	sdelay $0x2  }
0x4e: {  	[sflag:s12] =	ssyncadd.s32 $0xFFFFD800  }
0x4f: {  	_ =	sfence.sel $0x180000  }
0x50: {  	[bflag:$0x0] =	sbarrier.arrive $0xFFFF  }
0x51: {  	p0 =	sne.s32 s3, $0x0;
	_ =	strace $0x90000047  }
0x52: {  	s0 =	sadd.s32 @!p0 $0x100000, s0;
	[bflag:$0x2] =	sbarrier.arrive $0xFFFF  }
0x53: {  	[sflag:s0] =	ssyncadd.tile.s32 @!p0 $0x1;
	_ =	shalt  }
.Lfunc_end2:
_tile_overlayer_lowered:
.L_overlay_start_2:
0x54: {  	(tag) =	ssettag $0x2  }
0x55: {  	s0 =	rddreg [dreg:$0x0];
	s2 =	stileid.u32  }
0x56: {  	s1 =	rddreg [dreg:$0x1];
	p0 =	sne.s32 s2, $0x0  }
0x57: {  	s3 =	rddreg [dreg:$0x2];
	[bflag:$0x3] =	sbarrier.arrive $0xFFFF;
	s2 =	simm.s32 @!p0 $0x1C04  }
0x58: {  	[timem:s3], [sflag:s2] =	dma.local @!p0 [hbm:s0], s1  }
0x59: {  	s0 =	simm.s32 @!p0 $0x4  }
0x5a: {  	_ =	swait.ge @!p0 [sflag:s0], s1  }
0x5b: {  	s1 =	ssub.s32 @!p0 $0x0, s1;
	[sflag:s0] =	ssyncset.done @!p0 $0x0  }
0x5c: {  	[sflag:s0] =	ssyncadd.s32 @!p0 s1  }
0x5d: {  	[bflag:$0x3] =	sbarrier.arrive $0xFFFF  }
0x5e: {  	_ =	shalt  }

</sc_bundles>
